<compile_context>
chip_gen: v7x
topology: tpu7x:2x2x1
jax: 0.10.2.dev20260603
libtpu: 0.0.44.dev20260713+nightly
codegen_flags: <defaults>
</compile_context>

<pallas_src>
import functools

import jax
import jax.numpy as jnp
from jax import lax
from jax.experimental import pallas as pl
from jax.experimental.pallas import tpu as pltpu
from jax.experimental.pallas import tpu_sc as plsc

N_NODES = 10000
N_EDGES = 320000
D = 128
FC_IN = 16
FC_HID = 64

NC = 2
NS = 16
NW = NC * NS
EPW = N_EDGES // NW
CB = 80
NCHUNK = EPW // CB
N_PAD = 10240
RPS = N_PAD // NS

_INV_SQRT_IN = 1.0 / (FC_IN ** 0.5)
_INV_SQRT_HID = 1.0 / (FC_HID ** 0.5)
_INV_SQRT_D = 1.0 / (D ** 0.5)


def _edge_weight_body(es_ref, attr_ref, w1_ref, w2_ref, out_ref):
    h = jnp.dot(es_ref[...], w1_ref[...], preferred_element_type=jnp.float32)
    h = jax.nn.silu(h * _INV_SQRT_IN)
    w = jnp.dot(h, w2_ref[...], preferred_element_type=jnp.float32)
    out_ref[...] = w * _INV_SQRT_HID * attr_ref[...]


def _edge_weights(edge_scalars, edge_attr_sh, W_fc1, W_fc2):
    EB = 6400
    grid = N_EDGES // EB
    return pl.pallas_call(
        _edge_weight_body,
        grid=(grid,),
        in_specs=[
            pl.BlockSpec((EB, FC_IN), lambda i: (i, 0)),
            pl.BlockSpec((EB, 1), lambda i: (i, 0)),
            pl.BlockSpec((FC_IN, FC_HID), lambda i: (0, 0)),
            pl.BlockSpec((FC_HID, D), lambda i: (0, 0)),
        ],
        out_specs=pl.BlockSpec((EB, D), lambda i: (i, 0)),
        out_shape=jax.ShapeDtypeStruct((N_EDGES, D), jnp.float32),
    )(edge_scalars, edge_attr_sh, W_fc1, W_fc2)


G5 = 5


def _sc_body(src_hbm, dst_hbm, dst5_hbm, w_hbm, x_hbm, iota_hbm,
             feat_out, cnt_out,
             src_idx, dst_idx, dst5, rows0, rows1, wbuf0, wbuf1,
             acc_sh,
             sem, sem0, sem1, ssem0, ssem1):
    cid = lax.axis_index("c")
    sid = lax.axis_index("s")
    wid = cid * NS + sid

    def _fill(buf, val):
        def _f(r, _):
            for c8 in range(D // 16):
                buf[r, pl.ds(c8 * 16, 16)] = jnp.full((16,), val, jnp.float32)
            return 0
        lax.fori_loop(0, CB, _f, 0)

    def _zinit(q, _):
        off = sid * RPS + q * CB
        pltpu.sync_copy(iota_hbm.at[pl.ds(off, CB)], src_idx.at[0])
        pltpu.sync_copy(rows0, acc_sh.at[src_idx.at[0]])
        return 0

    def _wout(out_ref):
        def _w(q, _):
            off = sid * RPS + q * CB
            pltpu.sync_copy(iota_hbm.at[pl.ds(off, CB)], src_idx.at[0])
            pltpu.async_copy(acc_sh.at[src_idx.at[0]], rows0, sem).wait()
            pltpu.sync_copy(rows0, out_ref.at[cid, pl.ds(off, CB)])
            return 0
        lax.fori_loop(0, RPS // CB, _w, 0)

    _fill(rows0, 0.0)
    lax.fori_loop(0, RPS // CB, _zinit, 0)
    plsc.subcore_barrier()

    def _issue(jj, b, rbuf, wb, sg):
        pltpu.sync_copy(src_hbm.at[wid, jj], src_idx.at[b])
        pltpu.sync_copy(dst_hbm.at[wid, jj], dst_idx.at[b])
        pltpu.async_copy(x_hbm.at[src_idx.at[b]], rbuf, sg)
        pltpu.async_copy(w_hbm.at[pl.ds(wid * EPW + jj * CB, CB), :], wb, sg)

    def _drain(rbuf, wb, sg):
        pltpu.make_async_copy(x_hbm.at[src_idx.at[0]], rbuf, sg).wait()
        pltpu.make_async_copy(w_hbm.at[pl.ds(0, CB), :], wb, sg).wait()

    def _mul(rbuf, wb):
        def _m(r, _):
            for c8 in range(D // 16):
                sl = pl.ds(c8 * 16, 16)
                rbuf[r, sl] = rbuf[r, sl] * wb[r, sl]
            return 0
        lax.fori_loop(0, CB, _m, 0)

    _issue(0, 0, rows0, wbuf0, sem0)

    def _sdrain(rbuf, b, ss):
        pltpu.make_async_copy(rbuf, acc_sh.at[dst_idx.at[b]], ss).wait()

    def _chunk(j, _):
        even = (j % 2) == 0

        @pl.when(even)
        def _():
            @pl.when(j >= 1)
            def _():
                _sdrain(rows1, 1, ssem1)
            @pl.when(j + 1 < NCHUNK)
            def _():
                _issue(j + 1, 1, rows1, wbuf1, sem1)
            _drain(rows0, wbuf0, sem0)
            _mul(rows0, wbuf0)
            pltpu.async_copy(rows0, acc_sh.at[dst_idx.at[0]], ssem0, add=True)

        @pl.when(jnp.logical_not(even))
        def _():
            _sdrain(rows0, 0, ssem0)
            @pl.when(j + 1 < NCHUNK)
            def _():
                _issue(j + 1, 0, rows0, wbuf0, sem0)
            _drain(rows1, wbuf1, sem1)
            _mul(rows1, wbuf1)
            pltpu.async_copy(rows1, acc_sh.at[dst_idx.at[1]], ssem1, add=True)

        return 0

    lax.fori_loop(0, NCHUNK, _chunk, 0)
    _sdrain(rows0, 0, ssem0)
    plsc.subcore_barrier()
    _wout(feat_out)
    plsc.subcore_barrier()

    _fill(rows0, 0.0)
    lax.fori_loop(0, RPS // CB, _zinit, 0)
    plsc.subcore_barrier()
    _fill(rows0, 1.0)

    def _cgroup(g, _):
        pltpu.sync_copy(dst5_hbm.at[wid, g], dst5)
        for u in range(G5):
            pltpu.async_copy(rows0, acc_sh.at[dst5.at[u]], sem0, add=True)
        for u in range(G5):
            pltpu.make_async_copy(w_hbm.at[pl.ds(0, CB), :], rows0, sem0).wait()
        return 0

    lax.fori_loop(0, NCHUNK // G5, _cgroup, 0)
    plsc.subcore_barrier()
    _wout(cnt_out)


_sc_scatter = functools.partial(
    pl.kernel,
    mesh=plsc.VectorSubcoreMesh(core_axis_name="c", subcore_axis_name="s"),
    out_type=[
        jax.ShapeDtypeStruct((NC, N_PAD, D), jnp.float32),
        jax.ShapeDtypeStruct((NC, N_PAD, D), jnp.float32),
    ],
    scratch_types=[
        pltpu.VMEM((2, CB), jnp.int32),
        pltpu.VMEM((2, CB), jnp.int32),
        pltpu.VMEM((G5, CB), jnp.int32),
        pltpu.VMEM((CB, D), jnp.float32),
        pltpu.VMEM((CB, D), jnp.float32),
        pltpu.VMEM((CB, D), jnp.float32),
        pltpu.VMEM((CB, D), jnp.float32),
        pltpu.VMEM_SHARED((N_PAD, D), jnp.float32),
        pltpu.SemaphoreType.DMA,
        pltpu.SemaphoreType.DMA,
        pltpu.SemaphoreType.DMA,
        pltpu.SemaphoreType.DMA,
        pltpu.SemaphoreType.DMA,
    ],
)(_sc_body)


def _finish_body(feat_ref, cnt_ref, x_ref, wsc_ref, wlin_ref, wa_ref, out_ref):
    s = feat_ref[0] + feat_ref[1]
    c = cnt_ref[0, :, 0:1] + cnt_ref[1, :, 0:1]
    nf = s / jnp.maximum(c, 1.0)
    nsc = jnp.dot(x_ref[...], wsc_ref[...], preferred_element_type=jnp.float32)
    ncv = jnp.dot(nf, wlin_ref[...], preferred_element_type=jnp.float32)
    alpha = jnp.sum(nf * wa_ref[...], axis=1, keepdims=True) * _INV_SQRT_D
    out_ref[...] = (nsc + alpha * ncv) * _INV_SQRT_D


def _finish(feat_p, cnt_p, x, W_sc, W_lin, W_alpha):
    NB = 2000
    grid = N_NODES // NB
    return pl.pallas_call(
        _finish_body,
        grid=(grid,),
        in_specs=[
            pl.BlockSpec((NC, NB, D), lambda i: (0, i, 0)),
            pl.BlockSpec((NC, NB, D), lambda i: (0, i, 0)),
            pl.BlockSpec((NB, D), lambda i: (i, 0)),
            pl.BlockSpec((D, D), lambda i: (0, 0)),
            pl.BlockSpec((D, D), lambda i: (0, 0)),
            pl.BlockSpec((1, D), lambda i: (0, 0)),
        ],
        out_specs=pl.BlockSpec((NB, D), lambda i: (i, 0)),
        out_shape=jax.ShapeDtypeStruct((N_NODES, D), jnp.float32),
    )(feat_p, cnt_p, x, W_sc, W_lin, W_alpha.reshape(1, D))


def kernel(x, edge_index, edge_attr_sh, edge_scalars, W_sc, W_fc1, W_fc2, W_lin, W_alpha):
    w_eff = _edge_weights(edge_scalars, edge_attr_sh, W_fc1, W_fc2)
    iota = jnp.arange(N_PAD, dtype=jnp.int32)
    src3 = edge_index[0].reshape(NW, NCHUNK, CB)
    dst3 = edge_index[1].reshape(NW, NCHUNK, CB)
    dst5 = edge_index[1].reshape(NW, NCHUNK // G5, G5, CB)
    feat_p, cnt_p = _sc_scatter(src3, dst3, dst5, w_eff, x, iota)
    return _finish(feat_p, cnt_p, x, W_sc, W_lin, W_alpha)

# --- scband reference (transcript-rebuilt; emitter-appended) ---
"""Pipeline reference for scband-graph-convolution-87213605913035 (READ-ONLY COPY).

The authoritative reference and input builder live on the scoring server;
editing this copy changes nothing except your own understanding.
"""

import jax, jax.numpy as jnp
import numpy as np

N_NODES = 10000
N_EDGES = 320000
D = 128
FC_IN = 16
FC_HID = 64


def setup_inputs(seed: int = 0) -> dict:
    key = jax.random.key(seed)
    ks = jax.random.split(key, 10)
    x = jax.random.normal(ks[0], (N_NODES, D), dtype=jnp.float32)
    edge_index = jax.random.randint(ks[1], (2, N_EDGES), 0, N_NODES, dtype=jnp.int64 if jax.config.jax_enable_x64 else jnp.int32).astype(jnp.int32)
    edge_attr_sh = jax.random.uniform(ks[2], (N_EDGES, 1), dtype=jnp.float32)
    edge_scalars = jax.random.normal(ks[3], (N_EDGES, FC_IN), dtype=jnp.float32)
    # learned parameters (e3nn Linear / FullyConnectedNet / TensorProduct weights)
    W_sc = jax.random.normal(ks[4], (D, D), dtype=jnp.float32)
    W_fc1 = jax.random.normal(ks[5], (FC_IN, FC_HID), dtype=jnp.float32)
    W_fc2 = jax.random.normal(ks[6], (FC_HID, D), dtype=jnp.float32)  # tp.weight_numel = 128 for 128x0e (x) 1x0e 'uvu'
    W_lin = jax.random.normal(ks[7], (D, D), dtype=jnp.float32)
    W_alpha = jax.random.normal(ks[8], (D, 1), dtype=jnp.float32)
    return {"x": x, "edge_index": edge_index, "edge_attr_sh": edge_attr_sh, "edge_scalars": edge_scalars,
            "W_sc": W_sc, "W_fc1": W_fc1, "W_fc2": W_fc2, "W_lin": W_lin, "W_alpha": W_alpha}


def reference(x, edge_index, edge_attr_sh, edge_scalars, W_sc, W_fc1, W_fc2, W_lin, W_alpha):
    # fc: e3nn FullyConnectedNet([16, 64, 128], silu) -- variance-preserving, no bias
    h = jax.nn.silu(edge_scalars @ W_fc1 / jnp.sqrt(float(FC_IN)))
    weight = h @ W_fc2 / jnp.sqrt(float(FC_HID))  # [E, 128] per-edge tp weights
    # sc: o3.Linear(128x0e -> 128x0e)
    node_self_connection = x @ W_sc / jnp.sqrt(float(D))
    src = edge_index[0]
    dst = edge_index[1]
    # tp: TensorProduct 128x0e (x) 1x0e -> 128x0e, 'uvu', shared_weights=False
    x_src = jnp.take(x, src, axis=0)  # gather [E, 128]
    edge_features = x_src * edge_attr_sh * weight  # [E, 128]
    # scatter mean over destination nodes
    summed = jax.ops.segment_sum(edge_features, dst, num_segments=N_NODES)
    cnt = jax.ops.segment_sum(jnp.ones((dst.shape[0],), dtype=x.dtype), dst, num_segments=N_NODES)
    node_features = summed / jnp.maximum(cnt, 1.0)[:, None]
    # alpha: o3.Linear(128x0e -> 0e)
    alpha = node_features @ W_alpha / jnp.sqrt(float(D))  # [N, 1]
    # lin: o3.Linear(128x0e -> 128x0e)
    node_conv_out = node_features @ W_lin / jnp.sqrt(float(D))
    # output_mask m == ones(128) for all-scalar output irreps -> alpha = 1 - m + alpha*m = alpha
    m = jnp.ones((D,), dtype=x.dtype)
    alpha_full = 1.0 - m + alpha * m
    return node_self_connection + alpha_full * node_conv_out

if __name__ == "__main__":
    import jax
    _d = setup_inputs()
    print(jax.jit(kernel)(*tuple(_d.values())))

</pallas_src>

<mosaic_0001>
#map = affine_map<(d0, d1) -> (0, 0, 0)>
#map1 = affine_map<(d0, d1) -> (0, 0, 0, 0)>
#map2 = affine_map<(d0, d1) -> (0, 0)>
#map3 = affine_map<(d0, d1) -> (0)>
module attributes {stable_mosaic.version = 14 : i64} {
  func.func @_sc_body(%arg0: i32, %arg1: i32, %arg2: memref<32x125x80xi32, #tpu.memory_space<hbm>>, %arg3: memref<32x125x80xi32, #tpu.memory_space<hbm>>, %arg4: memref<32x25x5x80xi32, #tpu.memory_space<hbm>>, %arg5: memref<320000x128xf32, #tpu.memory_space<hbm>>, %arg6: memref<10000x128xf32, #tpu.memory_space<hbm>>, %arg7: memref<10240xi32, #tpu.memory_space<hbm>>, %arg8: memref<2x10240x128xf32, #tpu.memory_space<hbm>>, %arg9: memref<2x10240x128xf32, #tpu.memory_space<hbm>>, %arg10: memref<2x80xi32, #tpu.memory_space<vmem>>, %arg11: memref<2x80xi32, #tpu.memory_space<vmem>>, %arg12: memref<5x80xi32, #tpu.memory_space<vmem>>, %arg13: memref<80x128xf32, #tpu.memory_space<vmem>>, %arg14: memref<80x128xf32, #tpu.memory_space<vmem>>, %arg15: memref<80x128xf32, #tpu.memory_space<vmem>>, %arg16: memref<80x128xf32, #tpu.memory_space<vmem>>, %arg17: memref<10240x128xf32, #tpu.memory_space<vmem_shared>>, %arg18: memref<!tpu.dma_semaphore, #tpu.memory_space<semaphore_mem>>, %arg19: memref<!tpu.dma_semaphore, #tpu.memory_space<semaphore_mem>>, %arg20: memref<!tpu.dma_semaphore, #tpu.memory_space<semaphore_mem>>, %arg21: memref<!tpu.dma_semaphore, #tpu.memory_space<semaphore_mem>>, %arg22: memref<!tpu.dma_semaphore, #tpu.memory_space<semaphore_mem>>) attributes {dimension_semantics = [#tpu.dimension_semantics<core_parallel>, #tpu.dimension_semantics<subcore_parallel>], iteration_bounds = array<i64: 2, 16>, scalar_prefetch = 0 : i64, scratch_operands = 13 : i64, tpu.core_type = #tpu.core_type<sc_vector_subcore>, window_params = [{transform_indices = #map}, {transform_indices = #map}, {transform_indices = #map1}, {transform_indices = #map2}, {transform_indices = #map2}, {transform_indices = #map3}, {transform_indices = #map}, {transform_indices = #map}]} {
    %mul3A = arith.constant 16 : i32
    %mul3A_0 = arith.muli %arg0, %mul3A : i32
    %add3A = arith.addi %mul3A_0, %arg1 : i32
    %scan3A = arith.constant 0 : i32
    %scan3A_1 = arith.constant 0 : i32
    %scan3A_2 = arith.constant 80 : i32
    %scan3A_3 = arith.addi %scan3A_1, %scan3A_2 : i32
    %scan3A_4 = arith.constant 1 : i32
    %scan3A_5 = scf.for %scan3A_90 = %scan3A_1 to %scan3A_3 step %scan3A_4 iter_args(%scan3A_91 = %scan3A) -> (i32)  : i32 {
      %broadcast_in_dim3A = arith.constant 0.000000e+00 : f32
      %broadcast_in_dim3A_92 = vector.broadcast %broadcast_in_dim3A : f32 to vector<16xf32>
      %swap3A = arith.index_cast %scan3A_90 : i32 to index
      %swap3A_93 = arith.constant 0 : index
      %swap3A_94 = tpu.vector_load %arg13[%swap3A, %swap3A_93] {strides = array<i32>} : memref<80x128xf32, #tpu.memory_space<vmem>>, vector<1x16xf32>,
      %swap3A_95 = vector.shape_cast %swap3A_94 : vector<1x16xf32> to vector<16xf32>
      %swap3A_96 = vector.shape_cast %broadcast_in_dim3A_92 : vector<16xf32> to vector<1x16xf32>
      tpu.vector_store %arg13[%swap3A, %swap3A_93], %swap3A_96 {strides = array<i32>} : memref<80x128xf32, #tpu.memory_space<vmem>>, vector<1x16xf32>,
      %broadcast_in_dim3A_97 = arith.constant 0.000000e+00 : f32
      %broadcast_in_dim3A_98 = vector.broadcast %broadcast_in_dim3A_97 : f32 to vector<16xf32>
      %swap3A_99 = arith.index_cast %scan3A_90 : i32 to index
      %swap3A_100 = arith.constant 16 : index
      %swap3A_101 = tpu.vector_load %arg13[%swap3A_99, %swap3A_100] {strides = array<i32>} : memref<80x128xf32, #tpu.memory_space<vmem>>, vector<1x16xf32>,
      %swap3A_102 = vector.shape_cast %swap3A_101 : vector<1x16xf32> to vector<16xf32>
      %swap3A_103 = vector.shape_cast %broadcast_in_dim3A_98 : vector<16xf32> to vector<1x16xf32>
      tpu.vector_store %arg13[%swap3A_99, %swap3A_100], %swap3A_103 {strides = array<i32>} : memref<80x128xf32, #tpu.memory_space<vmem>>, vector<1x16xf32>,
      %broadcast_in_dim3A_104 = arith.constant 0.000000e+00 : f32
      %broadcast_in_dim3A_105 = vector.broadcast %broadcast_in_dim3A_104 : f32 to vector<16xf32>
      %swap3A_106 = arith.index_cast %scan3A_90 : i32 to index
      %swap3A_107 = arith.constant 32 : index
      %swap3A_108 = tpu.vector_load %arg13[%swap3A_106, %swap3A_107] {strides = array<i32>} : memref<80x128xf32, #tpu.memory_space<vmem>>, vector<1x16xf32>,
      %swap3A_109 = vector.shape_cast %swap3A_108 : vector<1x16xf32> to vector<16xf32>
      %swap3A_110 = vector.shape_cast %broadcast_in_dim3A_105 : vector<16xf32> to vector<1x16xf32>
      tpu.vector_store %arg13[%swap3A_106, %swap3A_107], %swap3A_110 {strides = array<i32>} : memref<80x128xf32, #tpu.memory_space<vmem>>, vector<1x16xf32>,
      %broadcast_in_dim3A_111 = arith.constant 0.000000e+00 : f32
      %broadcast_in_dim3A_112 = vector.broadcast %broadcast_in_dim3A_111 : f32 to vector<16xf32>
      %swap3A_113 = arith.index_cast %scan3A_90 : i32 to index
      %swap3A_114 = arith.constant 48 : index
      %swap3A_115 = tpu.vector_load %arg13[%swap3A_113, %swap3A_114] {strides = array<i32>} : memref<80x128xf32, #tpu.memory_space<vmem>>, vector<1x16xf32>,
      %swap3A_116 = vector.shape_cast %swap3A_115 : vector<1x16xf32> to vector<16xf32>
      %swap3A_117 = vector.shape_cast %broadcast_in_dim3A_112 : vector<16xf32> to vector<1x16xf32>
      tpu.vector_store %arg13[%swap3A_113, %swap3A_114], %swap3A_117 {strides = array<i32>} : memref<80x128xf32, #tpu.memory_space<vmem>>, vector<1x16xf32>,
      %broadcast_in_dim3A_118 = arith.constant 0.000000e+00 : f32
      %broadcast_in_dim3A_119 = vector.broadcast %broadcast_in_dim3A_118 : f32 to vector<16xf32>
      %swap3A_120 = arith.index_cast %scan3A_90 : i32 to index
      %swap3A_121 = arith.constant 64 : index
      %swap3A_122 = tpu.vector_load %arg13[%swap3A_120, %swap3A_121] {strides = array<i32>} : memref<80x128xf32, #tpu.memory_space<vmem>>, vector<1x16xf32>,
      %swap3A_123 = vector.shape_cast %swap3A_122 : vector<1x16xf32> to vector<16xf32>
      %swap3A_124 = vector.shape_cast %broadcast_in_dim3A_119 : vector<16xf32> to vector<1x16xf32>
      tpu.vector_store %arg13[%swap3A_120, %swap3A_121], %swap3A_124 {strides = array<i32>} : memref<80x128xf32, #tpu.memory_space<vmem>>, vector<1x16xf32>,
      %broadcast_in_dim3A_125 = arith.constant 0.000000e+00 : f32
      %broadcast_in_dim3A_126 = vector.broadcast %broadcast_in_dim3A_125 : f32 to vector<16xf32>
      %swap3A_127 = arith.index_cast %scan3A_90 : i32 to index
      %swap3A_128 = arith.constant 80 : index
      %swap3A_129 = tpu.vector_load %arg13[%swap3A_127, %swap3A_128] {strides = array<i32>} : memref<80x128xf32, #tpu.memory_space<vmem>>, vector<1x16xf32>,
      %swap3A_130 = vector.shape_cast %swap3A_129 : vector<1x16xf32> to vector<16xf32>
      %swap3A_131 = vector.shape_cast %broadcast_in_dim3A_126 : vector<16xf32> to vector<1x16xf32>
      tpu.vector_store %arg13[%swap3A_127, %swap3A_128], %swap3A_131 {strides = array<i32>} : memref<80x128xf32, #tpu.memory_space<vmem>>, vector<1x16xf32>,
      %broadcast_in_dim3A_132 = arith.constant 0.000000e+00 : f32
      %broadcast_in_dim3A_133 = vector.broadcast %broadcast_in_dim3A_132 : f32 to vector<16xf32>
      %swap3A_134 = arith.index_cast %scan3A_90 : i32 to index
      %swap3A_135 = arith.constant 96 : index
      %swap3A_136 = tpu.vector_load %arg13[%swap3A_134, %swap3A_135] {strides = array<i32>} : memref<80x128xf32, #tpu.memory_space<vmem>>, vector<1x16xf32>,
      %swap3A_137 = vector.shape_cast %swap3A_136 : vector<1x16xf32> to vector<16xf32>
      %swap3A_138 = vector.shape_cast %broadcast_in_dim3A_133 : vector<16xf32> to vector<1x16xf32>
      tpu.vector_store %arg13[%swap3A_134, %swap3A_135], %swap3A_138 {strides = array<i32>} : memref<80x128xf32, #tpu.memory_space<vmem>>, vector<1x16xf32>,
      %broadcast_in_dim3A_139 = arith.constant 0.000000e+00 : f32
      %broadcast_in_dim3A_140 = vector.broadcast %broadcast_in_dim3A_139 : f32 to vector<16xf32>
      %swap3A_141 = arith.index_cast %scan3A_90 : i32 to index
      %swap3A_142 = arith.constant 112 : index
      %swap3A_143 = tpu.vector_load %arg13[%swap3A_141, %swap3A_142] {strides = array<i32>} : memref<80x128xf32, #tpu.memory_space<vmem>>, vector<1x16xf32>,
      %swap3A_144 = vector.shape_cast %swap3A_143 : vector<1x16xf32> to vector<16xf32>
      %swap3A_145 = vector.shape_cast %broadcast_in_dim3A_140 : vector<16xf32> to vector<1x16xf32>
      tpu.vector_store %arg13[%swap3A_141, %swap3A_142], %swap3A_145 {strides = array<i32>} : memref<80x128xf32, #tpu.memory_space<vmem>>, vector<1x16xf32>,
      %scan3A_146 = arith.constant 0 : i32
      scf.yield %scan3A_146 : i32
    }
    %scan3A_6 = arith.constant 80 : i32
    %scan3A_7 = arith.constant 0 : i32
    %scan3A_8 = arith.constant 0 : i32
    %scan3A_9 = arith.constant 8 : i32
    %scan3A_10 = arith.addi %scan3A_8, %scan3A_9 : i32
    %scan3A_11 = arith.constant 1 : i32
    %scan3A_12 = scf.for %scan3A_90 = %scan3A_8 to %scan3A_10 step %scan3A_11 iter_args(%scan3A_91 = %scan3A_7) -> (i32)  : i32 {
      %mul3A_92 = arith.constant 640 : i32
      %mul3A_93 = arith.muli %arg1, %mul3A_92 : i32
      %mul3A_94 = arith.constant 80 : i32
      %mul3A_95 = arith.muli %scan3A_90, %mul3A_94 : i32
      %add3A_96 = arith.addi %mul3A_93, %mul3A_95 : i32
      %run_scoped3A_97 = arith.constant 0 : i32
      "tpu.region"() ({
        %run_scoped3A_100 = tpu.sem_alloc : memref<!tpu.dma_semaphore, #tpu.memory_space<semaphore_mem>>
        %dma_start3A_101 = arith.constant 0 : i32
        %dma_start3A_102 = tpu.memref_slice %arg10[%run_scoped3A_97, %dma_start3A_101] : memref<2x80xi32, #tpu.memory_space<vmem>> -> memref<1x80xi32, #tpu.memory_space<vmem>>
        %dma_start3A_103 = tpu.memref_squeeze %dma_start3A_102 : memref<1x80xi32, #tpu.memory_space<vmem>> -> memref<80xi32, #tpu.memory_space<vmem>>
        %dma_start3A_104 = tpu.memref_slice %arg7[%add3A_96] : memref<10240xi32, #tpu.memory_space<hbm>> -> memref<80xi32, #tpu.memory_space<hbm>>
        %dma_start3A_105 = arith.constant 0 : i32
        %dma_start3A_106 = tpu.memref_slice %arg10[%run_scoped3A_97, %dma_start3A_105] : memref<2x80xi32, #tpu.memory_space<vmem>> -> memref<1x80xi32, #tpu.memory_space<vmem>>
        %dma_start3A_107 = tpu.memref_squeeze %dma_start3A_106 : memref<1x80xi32, #tpu.memory_space<vmem>> -> memref<80xi32, #tpu.memory_space<vmem>>
        %dma_start3A_108 = tpu.memref_slice %arg7[%add3A_96] : memref<10240xi32, #tpu.memory_space<hbm>> -> memref<80xi32, #tpu.memory_space<hbm>>
        tpu.enqueue_dma source(%dma_start3A_108 : memref<80xi32, #tpu.memory_space<hbm>>) target(%dma_start3A_107 : memref<80xi32, #tpu.memory_space<vmem>>) target_semaphore(%run_scoped3A_100 : memref<!tpu.dma_semaphore, #tpu.memory_space<semaphore_mem>>)
        %dma_wait3A_109 = arith.constant 0 : i32
        %dma_wait3A_110 = tpu.memref_slice %arg10[%run_scoped3A_97, %dma_wait3A_109] : memref<2x80xi32, #tpu.memory_space<vmem>> -> memref<1x80xi32, #tpu.memory_space<vmem>>
        %dma_wait3A_111 = tpu.memref_squeeze %dma_wait3A_110 : memref<1x80xi32, #tpu.memory_space<vmem>> -> memref<80xi32, #tpu.memory_space<vmem>>
        %dma_wait3A_112 = tpu.memref_slice %arg7[%add3A_96] : memref<10240xi32, #tpu.memory_space<hbm>> -> memref<80xi32, #tpu.memory_space<hbm>>
        %dma_wait3A_113 = arith.constant 0 : i32
        %dma_wait3A_114 = tpu.memref_slice %arg10[%run_scoped3A_97, %dma_wait3A_113] : memref<2x80xi32, #tpu.memory_space<vmem>> -> memref<1x80xi32, #tpu.memory_space<vmem>>
        %dma_wait3A_115 = tpu.memref_squeeze %dma_wait3A_114 : memref<1x80xi32, #tpu.memory_space<vmem>> -> memref<80xi32, #tpu.memory_space<vmem>>
        %dma_wait3A_116 = tpu.memref_slice %arg7[%add3A_96] : memref<10240xi32, #tpu.memory_space<hbm>> -> memref<80xi32, #tpu.memory_space<hbm>>
        tpu.wait_dma2 semaphore(%run_scoped3A_100 : memref<!tpu.dma_semaphore, #tpu.memory_space<semaphore_mem>>) src(%dma_wait3A_116 : memref<80xi32, #tpu.memory_space<hbm>>) dst(%dma_wait3A_115 : memref<80xi32, #tpu.memory_space<vmem>>)
        tpu.yield
      }) : () -> ()
      %run_scoped3A_98 = arith.constant 0 : i32
      "tpu.region"() ({
        %run_scoped3A_100 = tpu.sem_alloc : memref<!tpu.dma_semaphore, #tpu.memory_space<semaphore_mem>>
        %dma_start3A_101 = arith.constant 0 : i32
        %dma_start3A_102 = tpu.memref_slice %arg10[%run_scoped3A_98, %dma_start3A_101] : memref<2x80xi32, #tpu.memory_space<vmem>> -> memref<1x80xi32, #tpu.memory_space<vmem>>
        %dma_start3A_103 = tpu.memref_squeeze %dma_start3A_102 : memref<1x80xi32, #tpu.memory_space<vmem>> -> memref<80xi32, #tpu.memory_space<vmem>>
        %dma_start3A_104 = arith.constant 0 : i32
        %dma_start3A_105 = arith.constant 0 : i32
        %dma_start3A_106 = tpu.memref_slice %arg17[%dma_start3A_104, %dma_start3A_105] : memref<10240x128xf32, #tpu.memory_space<vmem_shared>> -> memref<10240x128xf32, #tpu.memory_space<vmem_shared>>
        tpu.enqueue_indirect_dma source(%arg13 : memref<80x128xf32, #tpu.memory_space<vmem>>) target(%dma_start3A_106 : memref<10240x128xf32, #tpu.memory_space<vmem_shared>>) offsets(%dma_start3A_103 : memref<80xi32, #tpu.memory_space<vmem>>) semaphore(%run_scoped3A_100 : memref<!tpu.dma_semaphore, #tpu.memory_space<semaphore_mem>>)
        %dma_wait3A_107 = arith.constant 0 : i32
        %dma_wait3A_108 = tpu.memref_slice %arg10[%run_scoped3A_98, %dma_wait3A_107] : memref<2x80xi32, #tpu.memory_space<vmem>> -> memref<1x80xi32, #tpu.memory_space<vmem>>
        %dma_wait3A_109 = tpu.memref_squeeze %dma_wait3A_108 : memref<1x80xi32, #tpu.memory_space<vmem>> -> memref<80xi32, #tpu.memory_space<vmem>>
        %dma_wait3A_110 = arith.constant 0 : i32
        %dma_wait3A_111 = arith.constant 0 : i32
        %dma_wait3A_112 = tpu.memref_slice %arg17[%dma_wait3A_110, %dma_wait3A_111] : memref<10240x128xf32, #tpu.memory_space<vmem_shared>> -> memref<10240x128xf32, #tpu.memory_space<vmem_shared>>
        tpu.wait_indirect_dma semaphore(%run_scoped3A_100 : memref<!tpu.dma_semaphore, #tpu.memory_space<semaphore_mem>>) src(%arg13 : memref<80x128xf32, #tpu.memory_space<vmem>>) dst(%dma_wait3A_112 : memref<10240x128xf32, #tpu.memory_space<vmem_shared>>)
        tpu.yield
      }) : () -> ()
      %scan3A_99 = arith.constant 0 : i32
      scf.yield %scan3A_99 : i32
    }
    %scan3A_13 = arith.constant 8 : i32
    %barrier3A = arith.constant 0 : index
    tpu.barrier barrier_id(%barrier3A)
    %run_scoped3A = arith.constant 0 : i32
    %run_scoped3A_14 = arith.constant 0 : i32
    "tpu.region"() ({
      %run_scoped3A_90 = tpu.sem_alloc : memref<!tpu.dma_semaphore, #tpu.memory_space<semaphore_mem>>
      %dma_start3A_91 = arith.constant 0 : i32
      %dma_start3A_92 = tpu.memref_slice %arg10[%run_scoped3A_14, %dma_start3A_91] : memref<2x80xi32, #tpu.memory_space<vmem>> -> memref<1x80xi32, #tpu.memory_space<vmem>>
      %dma_start3A_93 = tpu.memref_squeeze %dma_start3A_92 : memref<1x80xi32, #tpu.memory_space<vmem>> -> memref<80xi32, #tpu.memory_space<vmem>>
      %dma_start3A_94 = arith.constant 0 : i32
      %dma_start3A_95 = tpu.memref_slice %arg2[%add3A, %run_scoped3A, %dma_start3A_94] : memref<32x125x80xi32, #tpu.memory_space<hbm>> -> memref<1x1x80xi32, #tpu.memory_space<hbm>>
      %dma_start3A_96 = tpu.memref_squeeze %dma_start3A_95 : memref<1x1x80xi32, #tpu.memory_space<hbm>> -> memref<80xi32, #tpu.memory_space<hbm>>
      %dma_start3A_97 = arith.constant 0 : i32
      %dma_start3A_98 = tpu.memref_slice %arg10[%run_scoped3A_14, %dma_start3A_97] : memref<2x80xi32, #tpu.memory_space<vmem>> -> memref<1x80xi32, #tpu.memory_space<vmem>>
      %dma_start3A_99 = tpu.memref_squeeze %dma_start3A_98 : memref<1x80xi32, #tpu.memory_space<vmem>> -> memref<80xi32, #tpu.memory_space<vmem>>
      %dma_start3A_100 = arith.constant 0 : i32
      %dma_start3A_101 = tpu.memref_slice %arg2[%add3A, %run_scoped3A, %dma_start3A_100] : memref<32x125x80xi32, #tpu.memory_space<hbm>> -> memref<1x1x80xi32, #tpu.memory_space<hbm>>
      %dma_start3A_102 = tpu.memref_squeeze %dma_start3A_101 : memref<1x1x80xi32, #tpu.memory_space<hbm>> -> memref<80xi32, #tpu.memory_space<hbm>>
      tpu.enqueue_dma source(%dma_start3A_102 : memref<80xi32, #tpu.memory_space<hbm>>) target(%dma_start3A_99 : memref<80xi32, #tpu.memory_space<vmem>>) target_semaphore(%run_scoped3A_90 : memref<!tpu.dma_semaphore, #tpu.memory_space<semaphore_mem>>)
      %dma_wait3A_103 = arith.constant 0 : i32
      %dma_wait3A_104 = tpu.memref_slice %arg10[%run_scoped3A_14, %dma_wait3A_103] : memref<2x80xi32, #tpu.memory_space<vmem>> -> memref<1x80xi32, #tpu.memory_space<vmem>>
      %dma_wait3A_105 = tpu.memref_squeeze %dma_wait3A_104 : memref<1x80xi32, #tpu.memory_space<vmem>> -> memref<80xi32, #tpu.memory_space<vmem>>
      %dma_wait3A_106 = arith.constant 0 : i32
      %dma_wait3A_107 = tpu.memref_slice %arg2[%add3A, %run_scoped3A, %dma_wait3A_106] : memref<32x125x80xi32, #tpu.memory_space<hbm>> -> memref<1x1x80xi32, #tpu.memory_space<hbm>>
      %dma_wait3A_108 = tpu.memref_squeeze %dma_wait3A_107 : memref<1x1x80xi32, #tpu.memory_space<hbm>> -> memref<80xi32, #tpu.memory_space<hbm>>
      %dma_wait3A_109 = arith.constant 0 : i32
      %dma_wait3A_110 = tpu.memref_slice %arg10[%run_scoped3A_14, %dma_wait3A_109] : memref<2x80xi32, #tpu.memory_space<vmem>> -> memref<1x80xi32, #tpu.memory_space<vmem>>
      %dma_wait3A_111 = tpu.memref_squeeze %dma_wait3A_110 : memref<1x80xi32, #tpu.memory_space<vmem>> -> memref<80xi32, #tpu.memory_space<vmem>>
      %dma_wait3A_112 = arith.constant 0 : i32
      %dma_wait3A_113 = tpu.memref_slice %arg2[%add3A, %run_scoped3A, %dma_wait3A_112] : memref<32x125x80xi32, #tpu.memory_space<hbm>> -> memref<1x1x80xi32, #tpu.memory_space<hbm>>
      %dma_wait3A_114 = tpu.memref_squeeze %dma_wait3A_113 : memref<1x1x80xi32, #tpu.memory_space<hbm>> -> memref<80xi32, #tpu.memory_space<hbm>>
      tpu.wait_dma2 semaphore(%run_scoped3A_90 : memref<!tpu.dma_semaphore, #tpu.memory_space<semaphore_mem>>) src(%dma_wait3A_114 : memref<80xi32, #tpu.memory_space<hbm>>) dst(%dma_wait3A_111 : memref<80xi32, #tpu.memory_space<vmem>>)
      tpu.yield
    }) : () -> ()
    %run_scoped3A_15 = arith.constant 0 : i32
    %run_scoped3A_16 = arith.constant 0 : i32
    "tpu.region"() ({
      %run_scoped3A_90 = tpu.sem_alloc : memref<!tpu.dma_semaphore, #tpu.memory_space<semaphore_mem>>
      %dma_start3A_91 = arith.constant 0 : i32
      %dma_start3A_92 = tpu.memref_slice %arg11[%run_scoped3A_16, %dma_start3A_91] : memref<2x80xi32, #tpu.memory_space<vmem>> -> memref<1x80xi32, #tpu.memory_space<vmem>>
      %dma_start3A_93 = tpu.memref_squeeze %dma_start3A_92 : memref<1x80xi32, #tpu.memory_space<vmem>> -> memref<80xi32, #tpu.memory_space<vmem>>
      %dma_start3A_94 = arith.constant 0 : i32
      %dma_start3A_95 = tpu.memref_slice %arg3[%add3A, %run_scoped3A_15, %dma_start3A_94] : memref<32x125x80xi32, #tpu.memory_space<hbm>> -> memref<1x1x80xi32, #tpu.memory_space<hbm>>
      %dma_start3A_96 = tpu.memref_squeeze %dma_start3A_95 : memref<1x1x80xi32, #tpu.memory_space<hbm>> -> memref<80xi32, #tpu.memory_space<hbm>>
      %dma_start3A_97 = arith.constant 0 : i32
      %dma_start3A_98 = tpu.memref_slice %arg11[%run_scoped3A_16, %dma_start3A_97] : memref<2x80xi32, #tpu.memory_space<vmem>> -> memref<1x80xi32, #tpu.memory_space<vmem>>
      %dma_start3A_99 = tpu.memref_squeeze %dma_start3A_98 : memref<1x80xi32, #tpu.memory_space<vmem>> -> memref<80xi32, #tpu.memory_space<vmem>>
      %dma_start3A_100 = arith.constant 0 : i32
      %dma_start3A_101 = tpu.memref_slice %arg3[%add3A, %run_scoped3A_15, %dma_start3A_100] : memref<32x125x80xi32, #tpu.memory_space<hbm>> -> memref<1x1x80xi32, #tpu.memory_space<hbm>>
      %dma_start3A_102 = tpu.memref_squeeze %dma_start3A_101 : memref<1x1x80xi32, #tpu.memory_space<hbm>> -> memref<80xi32, #tpu.memory_space<hbm>>
      tpu.enqueue_dma source(%dma_start3A_102 : memref<80xi32, #tpu.memory_space<hbm>>) target(%dma_start3A_99 : memref<80xi32, #tpu.memory_space<vmem>>) target_semaphore(%run_scoped3A_90 : memref<!tpu.dma_semaphore, #tpu.memory_space<semaphore_mem>>)
      %dma_wait3A_103 = arith.constant 0 : i32
      %dma_wait3A_104 = tpu.memref_slice %arg11[%run_scoped3A_16, %dma_wait3A_103] : memref<2x80xi32, #tpu.memory_space<vmem>> -> memref<1x80xi32, #tpu.memory_space<vmem>>
      %dma_wait3A_105 = tpu.memref_squeeze %dma_wait3A_104 : memref<1x80xi32, #tpu.memory_space<vmem>> -> memref<80xi32, #tpu.memory_space<vmem>>
      %dma_wait3A_106 = arith.constant 0 : i32
      %dma_wait3A_107 = tpu.memref_slice %arg3[%add3A, %run_scoped3A_15, %dma_wait3A_106] : memref<32x125x80xi32, #tpu.memory_space<hbm>> -> memref<1x1x80xi32, #tpu.memory_space<hbm>>
      %dma_wait3A_108 = tpu.memref_squeeze %dma_wait3A_107 : memref<1x1x80xi32, #tpu.memory_space<hbm>> -> memref<80xi32, #tpu.memory_space<hbm>>
      %dma_wait3A_109 = arith.constant 0 : i32
      %dma_wait3A_110 = tpu.memref_slice %arg11[%run_scoped3A_16, %dma_wait3A_109] : memref<2x80xi32, #tpu.memory_space<vmem>> -> memref<1x80xi32, #tpu.memory_space<vmem>>
      %dma_wait3A_111 = tpu.memref_squeeze %dma_wait3A_110 : memref<1x80xi32, #tpu.memory_space<vmem>> -> memref<80xi32, #tpu.memory_space<vmem>>
      %dma_wait3A_112 = arith.constant 0 : i32
      %dma_wait3A_113 = tpu.memref_slice %arg3[%add3A, %run_scoped3A_15, %dma_wait3A_112] : memref<32x125x80xi32, #tpu.memory_space<hbm>> -> memref<1x1x80xi32, #tpu.memory_space<hbm>>
      %dma_wait3A_114 = tpu.memref_squeeze %dma_wait3A_113 : memref<1x1x80xi32, #tpu.memory_space<hbm>> -> memref<80xi32, #tpu.memory_space<hbm>>
      tpu.wait_dma2 semaphore(%run_scoped3A_90 : memref<!tpu.dma_semaphore, #tpu.memory_space<semaphore_mem>>) src(%dma_wait3A_114 : memref<80xi32, #tpu.memory_space<hbm>>) dst(%dma_wait3A_111 : memref<80xi32, #tpu.memory_space<vmem>>)
      tpu.yield
    }) : () -> ()
    %dma_start3A = arith.constant 0 : i32
    %dma_start3A_17 = arith.constant 0 : i32
    %dma_start3A_18 = tpu.memref_slice %arg10[%dma_start3A, %dma_start3A_17] : memref<2x80xi32, #tpu.memory_space<vmem>> -> memref<1x80xi32, #tpu.memory_space<vmem>>
    %dma_start3A_19 = tpu.memref_squeeze %dma_start3A_18 : memref<1x80xi32, #tpu.memory_space<vmem>> -> memref<80xi32, #tpu.memory_space<vmem>>
    %dma_start3A_20 = arith.constant 0 : i32
    %dma_start3A_21 = arith.constant 0 : i32
    %dma_start3A_22 = tpu.memref_slice %arg6[%dma_start3A_20, %dma_start3A_21] : memref<10000x128xf32, #tpu.memory_space<hbm>> -> memref<10000x128xf32, #tpu.memory_space<hbm>>
    tpu.enqueue_indirect_dma source(%dma_start3A_22 : memref<10000x128xf32, #tpu.memory_space<hbm>>) target(%arg13 : memref<80x128xf32, #tpu.memory_space<vmem>>) offsets(%dma_start3A_19 : memref<80xi32, #tpu.memory_space<vmem>>) semaphore(%arg19 : memref<!tpu.dma_semaphore, #tpu.memory_space<semaphore_mem>>)
    %mul3A_23 = arith.constant 10000 : i32
    %mul3A_24 = arith.muli %add3A, %mul3A_23 : i32
    %add3A_25 = arith.constant 0 : i32
    %add3A_26 = arith.addi %mul3A_24, %add3A_25 : i32
    %dma_start3A_27 = arith.constant 0 : i32
    %dma_start3A_28 = tpu.memref_slice %arg5[%add3A_26, %dma_start3A_27] : memref<320000x128xf32, #tpu.memory_space<hbm>> -> memref<80x128xf32, #tpu.memory_space<hbm>>
    %dma_start3A_29 = arith.constant 0 : i32
    %dma_start3A_30 = tpu.memref_slice %arg5[%add3A_26, %dma_start3A_29] : memref<320000x128xf32, #tpu.memory_space<hbm>> -> memref<80x128xf32, #tpu.memory_space<hbm>>
    tpu.enqueue_dma source(%dma_start3A_30 : memref<80x128xf32, #tpu.memory_space<hbm>>) target(%arg15 : memref<80x128xf32, #tpu.memory_space<vmem>>) target_semaphore(%arg19 : memref<!tpu.dma_semaphore, #tpu.memory_space<semaphore_mem>>)
    %scan3A_31 = arith.constant 0 : i32
    %scan3A_32 = arith.constant 0 : i32
    %scan3A_33 = arith.constant 125 : i32
    %scan3A_34 = arith.addi %scan3A_32, %scan3A_33 : i32
    %scan3A_35 = arith.constant 1 : i32
    %scan3A_36 = scf.for %scan3A_90 = %scan3A_32 to %scan3A_34 step %scan3A_35 iter_args(%scan3A_91 = %scan3A_31) -> (i32)  : i32 {
      %jit3A = arith.constant 2 : i32
      %eq3A = arith.constant 0 : i32
      %eq3A_92 = arith.cmpi eq, %jit3A, %eq3A : i32
      %jit3A_93 = arith.constant 1 : i32
      %select_n3A = arith.select %eq3A_92, %jit3A_93, %jit3A : i32
      %rem3A = arith.remsi %scan3A_90, %select_n3A : i32
      %ne3A = arith.constant 0 : i32
      %ne3A_94 = arith.cmpi ne, %rem3A, %ne3A : i32
      %lt3A = arith.constant 0 : i32
      %lt3A_95 = arith.cmpi slt, %rem3A, %lt3A : i32
      %lt3A_96 = arith.constant 0 : i32
      %lt3A_97 = arith.cmpi slt, %select_n3A, %lt3A_96 : i32
      %ne3A_98 = arith.xori %lt3A_95, %lt3A_97 : i1
      %and3A = arith.andi %ne3A_98, %ne3A_94 : i1
      %add3A_99 = arith.addi %rem3A, %select_n3A : i32
      %select_n3A_100 = arith.select %and3A, %add3A_99, %rem3A : i32
      %eq3A_101 = arith.constant 0 : i32
      %eq3A_102 = arith.cmpi eq, %select_n3A_100, %eq3A_101 : i32
      %convert_element_type3A = arith.extui %eq3A_102 : i1 to i32
      %cond3A = arith.constant 0 : i32
      %cond3A_103 = arith.cmpi ne, %convert_element_type3A, %cond3A : i32
      scf.if %cond3A_103 {
        %ge3A = arith.constant 1 : i32
        %ge3A_109 = arith.cmpi sge, %scan3A_90, %ge3A : i32
        %convert_element_type3A_110 = arith.extui %ge3A_109 : i1 to i32
        %cond3A_111 = arith.constant 0 : i32
        %cond3A_112 = arith.cmpi ne, %convert_element_type3A_110, %cond3A_111 : i32
        scf.if %cond3A_112 {
          %dma_wait3A_147 = arith.constant 1 : i32
          %dma_wait3A_148 = arith.constant 0 : i32
          %dma_wait3A_149 = tpu.memref_slice %arg11[%dma_wait3A_147, %dma_wait3A_148] : memref<2x80xi32, #tpu.memory_space<vmem>> -> memref<1x80xi32, #tpu.memory_space<vmem>>
          %dma_wait3A_150 = tpu.memref_squeeze %dma_wait3A_149 : memref<1x80xi32, #tpu.memory_space<vmem>> -> memref<80xi32, #tpu.memory_space<vmem>>
          %dma_wait3A_151 = arith.constant 0 : i32
          %dma_wait3A_152 = arith.constant 0 : i32
          %dma_wait3A_153 = tpu.memref_slice %arg17[%dma_wait3A_151, %dma_wait3A_152] : memref<10240x128xf32, #tpu.memory_space<vmem_shared>> -> memref<10240x128xf32, #tpu.memory_space<vmem_shared>>
          tpu.wait_indirect_dma semaphore(%arg22 : memref<!tpu.dma_semaphore, #tpu.memory_space<semaphore_mem>>) src(%arg14 : memref<80x128xf32, #tpu.memory_space<vmem>>) dst(%dma_wait3A_153 : memref<10240x128xf32, #tpu.memory_space<vmem_shared>>)
        } else {
        }
        %add3A_113 = arith.constant 1 : i32
        %add3A_114 = arith.addi %scan3A_90, %add3A_113 : i32
        %lt3A_115 = arith.constant 125 : i32
        %lt3A_116 = arith.cmpi slt, %add3A_114, %lt3A_115 : i32
        %convert_element_type3A_117 = arith.extui %lt3A_116 : i1 to i32
        %cond3A_118 = arith.constant 0 : i32
        %cond3A_119 = arith.cmpi ne, %convert_element_type3A_117, %cond3A_118 : i32
        scf.if %cond3A_119 {
          %add3A_147 = arith.constant 1 : i32
          %add3A_148 = arith.addi %scan3A_90, %add3A_147 : i32
          %run_scoped3A_149 = arith.constant 1 : i32
          "tpu.region"() ({
            %run_scoped3A_167 = tpu.sem_alloc : memref<!tpu.dma_semaphore, #tpu.memory_space<semaphore_mem>>
            %dma_start3A_168 = arith.constant 0 : i32
            %dma_start3A_169 = tpu.memref_slice %arg10[%run_scoped3A_149, %dma_start3A_168] : memref<2x80xi32, #tpu.memory_space<vmem>> -> memref<1x80xi32, #tpu.memory_space<vmem>>
            %dma_start3A_170 = tpu.memref_squeeze %dma_start3A_169 : memref<1x80xi32, #tpu.memory_space<vmem>> -> memref<80xi32, #tpu.memory_space<vmem>>
            %dma_start3A_171 = arith.constant 0 : i32
            %dma_start3A_172 = tpu.memref_slice %arg2[%add3A, %add3A_148, %dma_start3A_171] : memref<32x125x80xi32, #tpu.memory_space<hbm>> -> memref<1x1x80xi32, #tpu.memory_space<hbm>>
            %dma_start3A_173 = tpu.memref_squeeze %dma_start3A_172 : memref<1x1x80xi32, #tpu.memory_space<hbm>> -> memref<80xi32, #tpu.memory_space<hbm>>
            %dma_start3A_174 = arith.constant 0 : i32
            %dma_start3A_175 = tpu.memref_slice %arg10[%run_scoped3A_149, %dma_start3A_174] : memref<2x80xi32, #tpu.memory_space<vmem>> -> memref<1x80xi32, #tpu.memory_space<vmem>>
            %dma_start3A_176 = tpu.memref_squeeze %dma_start3A_175 : memref<1x80xi32, #tpu.memory_space<vmem>> -> memref<80xi32, #tpu.memory_space<vmem>>
            %dma_start3A_177 = arith.constant 0 : i32
            %dma_start3A_178 = tpu.memref_slice %arg2[%add3A, %add3A_148, %dma_start3A_177] : memref<32x125x80xi32, #tpu.memory_space<hbm>> -> memref<1x1x80xi32, #tpu.memory_space<hbm>>
            %dma_start3A_179 = tpu.memref_squeeze %dma_start3A_178 : memref<1x1x80xi32, #tpu.memory_space<hbm>> -> memref<80xi32, #tpu.memory_space<hbm>>
            tpu.enqueue_dma source(%dma_start3A_179 : memref<80xi32, #tpu.memory_space<hbm>>) target(%dma_start3A_176 : memref<80xi32, #tpu.memory_space<vmem>>) target_semaphore(%run_scoped3A_167 : memref<!tpu.dma_semaphore, #tpu.memory_space<semaphore_mem>>)
            %dma_wait3A_180 = arith.constant 0 : i32
            %dma_wait3A_181 = tpu.memref_slice %arg10[%run_scoped3A_149, %dma_wait3A_180] : memref<2x80xi32, #tpu.memory_space<vmem>> -> memref<1x80xi32, #tpu.memory_space<vmem>>
            %dma_wait3A_182 = tpu.memref_squeeze %dma_wait3A_181 : memref<1x80xi32, #tpu.memory_space<vmem>> -> memref<80xi32, #tpu.memory_space<vmem>>
            %dma_wait3A_183 = arith.constant 0 : i32
            %dma_wait3A_184 = tpu.memref_slice %arg2[%add3A, %add3A_148, %dma_wait3A_183] : memref<32x125x80xi32, #tpu.memory_space<hbm>> -> memref<1x1x80xi32, #tpu.memory_space<hbm>>
            %dma_wait3A_185 = tpu.memref_squeeze %dma_wait3A_184 : memref<1x1x80xi32, #tpu.memory_space<hbm>> -> memref<80xi32, #tpu.memory_space<hbm>>
            %dma_wait3A_186 = arith.constant 0 : i32
            %dma_wait3A_187 = tpu.memref_slice %arg10[%run_scoped3A_149, %dma_wait3A_186] : memref<2x80xi32, #tpu.memory_space<vmem>> -> memref<1x80xi32, #tpu.memory_space<vmem>>
            %dma_wait3A_188 = tpu.memref_squeeze %dma_wait3A_187 : memref<1x80xi32, #tpu.memory_space<vmem>> -> memref<80xi32, #tpu.memory_space<vmem>>
            %dma_wait3A_189 = arith.constant 0 : i32
            %dma_wait3A_190 = tpu.memref_slice %arg2[%add3A, %add3A_148, %dma_wait3A_189] : memref<32x125x80xi32, #tpu.memory_space<hbm>> -> memref<1x1x80xi32, #tpu.memory_space<hbm>>
            %dma_wait3A_191 = tpu.memref_squeeze %dma_wait3A_190 : memref<1x1x80xi32, #tpu.memory_space<hbm>> -> memref<80xi32, #tpu.memory_space<hbm>>
            tpu.wait_dma2 semaphore(%run_scoped3A_167 : memref<!tpu.dma_semaphore, #tpu.memory_space<semaphore_mem>>) src(%dma_wait3A_191 : memref<80xi32, #tpu.memory_space<hbm>>) dst(%dma_wait3A_188 : memref<80xi32, #tpu.memory_space<vmem>>)
            tpu.yield
          }) : () -> ()
          %run_scoped3A_150 = arith.constant 1 : i32
          "tpu.region"() ({
            %run_scoped3A_167 = tpu.sem_alloc : memref<!tpu.dma_semaphore, #tpu.memory_space<semaphore_mem>>
            %dma_start3A_168 = arith.constant 0 : i32
            %dma_start3A_169 = tpu.memref_slice %arg11[%run_scoped3A_150, %dma_start3A_168] : memref<2x80xi32, #tpu.memory_space<vmem>> -> memref<1x80xi32, #tpu.memory_space<vmem>>
            %dma_start3A_170 = tpu.memref_squeeze %dma_start3A_169 : memref<1x80xi32, #tpu.memory_space<vmem>> -> memref<80xi32, #tpu.memory_space<vmem>>
            %dma_start3A_171 = arith.constant 0 : i32
            %dma_start3A_172 = tpu.memref_slice %arg3[%add3A, %add3A_148, %dma_start3A_171] : memref<32x125x80xi32, #tpu.memory_space<hbm>> -> memref<1x1x80xi32, #tpu.memory_space<hbm>>
            %dma_start3A_173 = tpu.memref_squeeze %dma_start3A_172 : memref<1x1x80xi32, #tpu.memory_space<hbm>> -> memref<80xi32, #tpu.memory_space<hbm>>
            %dma_start3A_174 = arith.constant 0 : i32
            %dma_start3A_175 = tpu.memref_slice %arg11[%run_scoped3A_150, %dma_start3A_174] : memref<2x80xi32, #tpu.memory_space<vmem>> -> memref<1x80xi32, #tpu.memory_space<vmem>>
            %dma_start3A_176 = tpu.memref_squeeze %dma_start3A_175 : memref<1x80xi32, #tpu.memory_space<vmem>> -> memref<80xi32, #tpu.memory_space<vmem>>
            %dma_start3A_177 = arith.constant 0 : i32
            %dma_start3A_178 = tpu.memref_slice %arg3[%add3A, %add3A_148, %dma_start3A_177] : memref<32x125x80xi32, #tpu.memory_space<hbm>> -> memref<1x1x80xi32, #tpu.memory_space<hbm>>
            %dma_start3A_179 = tpu.memref_squeeze %dma_start3A_178 : memref<1x1x80xi32, #tpu.memory_space<hbm>> -> memref<80xi32, #tpu.memory_space<hbm>>
            tpu.enqueue_dma source(%dma_start3A_179 : memref<80xi32, #tpu.memory_space<hbm>>) target(%dma_start3A_176 : memref<80xi32, #tpu.memory_space<vmem>>) target_semaphore(%run_scoped3A_167 : memref<!tpu.dma_semaphore, #tpu.memory_space<semaphore_mem>>)
            %dma_wait3A_180 = arith.constant 0 : i32
            %dma_wait3A_181 = tpu.memref_slice %arg11[%run_scoped3A_150, %dma_wait3A_180] : memref<2x80xi32, #tpu.memory_space<vmem>> -> memref<1x80xi32, #tpu.memory_space<vmem>>
            %dma_wait3A_182 = tpu.memref_squeeze %dma_wait3A_181 : memref<1x80xi32, #tpu.memory_space<vmem>> -> memref<80xi32, #tpu.memory_space<vmem>>
            %dma_wait3A_183 = arith.constant 0 : i32
            %dma_wait3A_184 = tpu.memref_slice %arg3[%add3A, %add3A_148, %dma_wait3A_183] : memref<32x125x80xi32, #tpu.memory_space<hbm>> -> memref<1x1x80xi32, #tpu.memory_space<hbm>>
            %dma_wait3A_185 = tpu.memref_squeeze %dma_wait3A_184 : memref<1x1x80xi32, #tpu.memory_space<hbm>> -> memref<80xi32, #tpu.memory_space<hbm>>
            %dma_wait3A_186 = arith.constant 0 : i32
            %dma_wait3A_187 = tpu.memref_slice %arg11[%run_scoped3A_150, %dma_wait3A_186] : memref<2x80xi32, #tpu.memory_space<vmem>> -> memref<1x80xi32, #tpu.memory_space<vmem>>
            %dma_wait3A_188 = tpu.memref_squeeze %dma_wait3A_187 : memref<1x80xi32, #tpu.memory_space<vmem>> -> memref<80xi32, #tpu.memory_space<vmem>>
            %dma_wait3A_189 = arith.constant 0 : i32
            %dma_wait3A_190 = tpu.memref_slice %arg3[%add3A, %add3A_148, %dma_wait3A_189] : memref<32x125x80xi32, #tpu.memory_space<hbm>> -> memref<1x1x80xi32, #tpu.memory_space<hbm>>
            %dma_wait3A_191 = tpu.memref_squeeze %dma_wait3A_190 : memref<1x1x80xi32, #tpu.memory_space<hbm>> -> memref<80xi32, #tpu.memory_space<hbm>>
            tpu.wait_dma2 semaphore(%run_scoped3A_167 : memref<!tpu.dma_semaphore, #tpu.memory_space<semaphore_mem>>) src(%dma_wait3A_191 : memref<80xi32, #tpu.memory_space<hbm>>) dst(%dma_wait3A_188 : memref<80xi32, #tpu.memory_space<vmem>>)
            tpu.yield
          }) : () -> ()
          %dma_start3A_151 = arith.constant 1 : i32
          %dma_start3A_152 = arith.constant 0 : i32
          %dma_start3A_153 = tpu.memref_slice %arg10[%dma_start3A_151, %dma_start3A_152] : memref<2x80xi32, #tpu.memory_space<vmem>> -> memref<1x80xi32, #tpu.memory_space<vmem>>
          %dma_start3A_154 = tpu.memref_squeeze %dma_start3A_153 : memref<1x80xi32, #tpu.memory_space<vmem>> -> memref<80xi32, #tpu.memory_space<vmem>>
          %dma_start3A_155 = arith.constant 0 : i32
          %dma_start3A_156 = arith.constant 0 : i32
          %dma_start3A_157 = tpu.memref_slice %arg6[%dma_start3A_155, %dma_start3A_156] : memref<10000x128xf32, #tpu.memory_space<hbm>> -> memref<10000x128xf32, #tpu.memory_space<hbm>>
          tpu.enqueue_indirect_dma source(%dma_start3A_157 : memref<10000x128xf32, #tpu.memory_space<hbm>>) target(%arg14 : memref<80x128xf32, #tpu.memory_space<vmem>>) offsets(%dma_start3A_154 : memref<80xi32, #tpu.memory_space<vmem>>) semaphore(%arg20 : memref<!tpu.dma_semaphore, #tpu.memory_space<semaphore_mem>>)
          %mul3A_158 = arith.constant 10000 : i32
          %mul3A_159 = arith.muli %add3A, %mul3A_158 : i32
          %mul3A_160 = arith.constant 80 : i32
          %mul3A_161 = arith.muli %add3A_148, %mul3A_160 : i32
          %add3A_162 = arith.addi %mul3A_159, %mul3A_161 : i32
          %dma_start3A_163 = arith.constant 0 : i32
          %dma_start3A_164 = tpu.memref_slice %arg5[%add3A_162, %dma_start3A_163] : memref<320000x128xf32, #tpu.memory_space<hbm>> -> memref<80x128xf32, #tpu.memory_space<hbm>>
          %dma_start3A_165 = arith.constant 0 : i32
          %dma_start3A_166 = tpu.memref_slice %arg5[%add3A_162, %dma_start3A_165] : memref<320000x128xf32, #tpu.memory_space<hbm>> -> memref<80x128xf32, #tpu.memory_space<hbm>>
          tpu.enqueue_dma source(%dma_start3A_166 : memref<80x128xf32, #tpu.memory_space<hbm>>) target(%arg16 : memref<80x128xf32, #tpu.memory_space<vmem>>) target_semaphore(%arg20 : memref<!tpu.dma_semaphore, #tpu.memory_space<semaphore_mem>>)
        } else {
        }
        %dma_wait3A_120 = arith.constant 0 : i32
        %dma_wait3A_121 = arith.constant 0 : i32
        %dma_wait3A_122 = tpu.memref_slice %arg10[%dma_wait3A_120, %dma_wait3A_121] : memref<2x80xi32, #tpu.memory_space<vmem>> -> memref<1x80xi32, #tpu.memory_space<vmem>>
        %dma_wait3A_123 = tpu.memref_squeeze %dma_wait3A_122 : memref<1x80xi32, #tpu.memory_space<vmem>> -> memref<80xi32, #tpu.memory_space<vmem>>
        %dma_wait3A_124 = arith.constant 0 : i32
        %dma_wait3A_125 = arith.constant 0 : i32
        %dma_wait3A_126 = tpu.memref_slice %arg6[%dma_wait3A_124, %dma_wait3A_125] : memref<10000x128xf32, #tpu.memory_space<hbm>> -> memref<10000x128xf32, #tpu.memory_space<hbm>>
        tpu.wait_indirect_dma semaphore(%arg19 : memref<!tpu.dma_semaphore, #tpu.memory_space<semaphore_mem>>) src(%dma_wait3A_126 : memref<10000x128xf32, #tpu.memory_space<hbm>>) dst(%arg13 : memref<80x128xf32, #tpu.memory_space<vmem>>)
        %dma_wait3A_127 = arith.constant 0 : i32
        %dma_wait3A_128 = arith.constant 0 : i32
        %dma_wait3A_129 = tpu.memref_slice %arg5[%dma_wait3A_127, %dma_wait3A_128] : memref<320000x128xf32, #tpu.memory_space<hbm>> -> memref<80x128xf32, #tpu.memory_space<hbm>>
        %dma_wait3A_130 = arith.constant 0 : i32
        %dma_wait3A_131 = arith.constant 0 : i32
        %dma_wait3A_132 = tpu.memref_slice %arg5[%dma_wait3A_130, %dma_wait3A_131] : memref<320000x128xf32, #tpu.memory_space<hbm>> -> memref<80x128xf32, #tpu.memory_space<hbm>>
        tpu.wait_dma2 semaphore(%arg19 : memref<!tpu.dma_semaphore, #tpu.memory_space<semaphore_mem>>) src(%dma_wait3A_132 : memref<80x128xf32, #tpu.memory_space<hbm>>) dst(%arg15 : memref<80x128xf32, #tpu.memory_space<vmem>>)
        %scan3A_133 = arith.constant 0 : i32
        %scan3A_134 = arith.constant 0 : i32
        %scan3A_135 = arith.constant 80 : i32
        %scan3A_136 = arith.addi %scan3A_134, %scan3A_135 : i32
        %scan3A_137 = arith.constant 1 : i32
        %scan3A_138 = scf.for %scan3A_147 = %scan3A_134 to %scan3A_136 step %scan3A_137 iter_args(%scan3A_148 = %scan3A_133) -> (i32)  : i32 {
          %get3A = arith.index_cast %scan3A_147 : i32 to index
          %get3A_149 = arith.constant 0 : index
          %get3A_150 = tpu.vector_load %arg13[%get3A, %get3A_149] {strides = array<i32>} : memref<80x128xf32, #tpu.memory_space<vmem>>, vector<1x16xf32>,
          %get3A_151 = vector.shape_cast %get3A_150 : vector<1x16xf32> to vector<16xf32>
          %get3A_152 = arith.index_cast %scan3A_147 : i32 to index
          %get3A_153 = arith.constant 0 : index
          %get3A_154 = tpu.vector_load %arg15[%get3A_152, %get3A_153] {strides = array<i32>} : memref<80x128xf32, #tpu.memory_space<vmem>>, vector<1x16xf32>,
          %get3A_155 = vector.shape_cast %get3A_154 : vector<1x16xf32> to vector<16xf32>
          %mul3A_156 = arith.mulf %get3A_151, %get3A_155 : vector<16xf32>
          %swap3A = arith.index_cast %scan3A_147 : i32 to index
          %swap3A_157 = arith.constant 0 : index
          %swap3A_158 = tpu.vector_load %arg13[%swap3A, %swap3A_157] {strides = array<i32>} : memref<80x128xf32, #tpu.memory_space<vmem>>, vector<1x16xf32>,
          %swap3A_159 = vector.shape_cast %swap3A_158 : vector<1x16xf32> to vector<16xf32>
          %swap3A_160 = vector.shape_cast %mul3A_156 : vector<16xf32> to vector<1x16xf32>
          tpu.vector_store %arg13[%swap3A, %swap3A_157], %swap3A_160 {strides = array<i32>} : memref<80x128xf32, #tpu.memory_space<vmem>>, vector<1x16xf32>,
          %get3A_161 = arith.index_cast %scan3A_147 : i32 to index
          %get3A_162 = arith.constant 16 : index
          %get3A_163 = tpu.vector_load %arg13[%get3A_161, %get3A_162] {strides = array<i32>} : memref<80x128xf32, #tpu.memory_space<vmem>>, vector<1x16xf32>,
          %get3A_164 = vector.shape_cast %get3A_163 : vector<1x16xf32> to vector<16xf32>
          %get3A_165 = arith.index_cast %scan3A_147 : i32 to index
          %get3A_166 = arith.constant 16 : index
          %get3A_167 = tpu.vector_load %arg15[%get3A_165, %get3A_166] {strides = array<i32>} : memref<80x128xf32, #tpu.memory_space<vmem>>, vector<1x16xf32>,
          %get3A_168 = vector.shape_cast %get3A_167 : vector<1x16xf32> to vector<16xf32>
          %mul3A_169 = arith.mulf %get3A_164, %get3A_168 : vector<16xf32>
          %swap3A_170 = arith.index_cast %scan3A_147 : i32 to index
          %swap3A_171 = arith.constant 16 : index
          %swap3A_172 = tpu.vector_load %arg13[%swap3A_170, %swap3A_171] {strides = array<i32>} : memref<80x128xf32, #tpu.memory_space<vmem>>, vector<1x16xf32>,
          %swap3A_173 = vector.shape_cast %swap3A_172 : vector<1x16xf32> to vector<16xf32>
          %swap3A_174 = vector.shape_cast %mul3A_169 : vector<16xf32> to vector<1x16xf32>
          tpu.vector_store %arg13[%swap3A_170, %swap3A_171], %swap3A_174 {strides = array<i32>} : memref<80x128xf32, #tpu.memory_space<vmem>>, vector<1x16xf32>,
          %get3A_175 = arith.index_cast %scan3A_147 : i32 to index
          %get3A_176 = arith.constant 32 : index
          %get3A_177 = tpu.vector_load %arg13[%get3A_175, %get3A_176] {strides = array<i32>} : memref<80x128xf32, #tpu.memory_space<vmem>>, vector<1x16xf32>,
          %get3A_178 = vector.shape_cast %get3A_177 : vector<1x16xf32> to vector<16xf32>
          %get3A_179 = arith.index_cast %scan3A_147 : i32 to index
          %get3A_180 = arith.constant 32 : index
          %get3A_181 = tpu.vector_load %arg15[%get3A_179, %get3A_180] {strides = array<i32>} : memref<80x128xf32, #tpu.memory_space<vmem>>, vector<1x16xf32>,
          %get3A_182 = vector.shape_cast %get3A_181 : vector<1x16xf32> to vector<16xf32>
          %mul3A_183 = arith.mulf %get3A_178, %get3A_182 : vector<16xf32>
          %swap3A_184 = arith.index_cast %scan3A_147 : i32 to index
          %swap3A_185 = arith.constant 32 : index
          %swap3A_186 = tpu.vector_load %arg13[%swap3A_184, %swap3A_185] {strides = array<i32>} : memref<80x128xf32, #tpu.memory_space<vmem>>, vector<1x16xf32>,
          %swap3A_187 = vector.shape_cast %swap3A_186 : vector<1x16xf32> to vector<16xf32>
          %swap3A_188 = vector.shape_cast %mul3A_183 : vector<16xf32> to vector<1x16xf32>
          tpu.vector_store %arg13[%swap3A_184, %swap3A_185], %swap3A_188 {strides = array<i32>} : memref<80x128xf32, #tpu.memory_space<vmem>>, vector<1x16xf32>,
          %get3A_189 = arith.index_cast %scan3A_147 : i32 to index
          %get3A_190 = arith.constant 48 : index
          %get3A_191 = tpu.vector_load %arg13[%get3A_189, %get3A_190] {strides = array<i32>} : memref<80x128xf32, #tpu.memory_space<vmem>>, vector<1x16xf32>,
          %get3A_192 = vector.shape_cast %get3A_191 : vector<1x16xf32> to vector<16xf32>
          %get3A_193 = arith.index_cast %scan3A_147 : i32 to index
          %get3A_194 = arith.constant 48 : index
          %get3A_195 = tpu.vector_load %arg15[%get3A_193, %get3A_194] {strides = array<i32>} : memref<80x128xf32, #tpu.memory_space<vmem>>, vector<1x16xf32>,
          %get3A_196 = vector.shape_cast %get3A_195 : vector<1x16xf32> to vector<16xf32>
          %mul3A_197 = arith.mulf %get3A_192, %get3A_196 : vector<16xf32>
          %swap3A_198 = arith.index_cast %scan3A_147 : i32 to index
          %swap3A_199 = arith.constant 48 : index
          %swap3A_200 = tpu.vector_load %arg13[%swap3A_198, %swap3A_199] {strides = array<i32>} : memref<80x128xf32, #tpu.memory_space<vmem>>, vector<1x16xf32>,
          %swap3A_201 = vector.shape_cast %swap3A_200 : vector<1x16xf32> to vector<16xf32>
          %swap3A_202 = vector.shape_cast %mul3A_197 : vector<16xf32> to vector<1x16xf32>
          tpu.vector_store %arg13[%swap3A_198, %swap3A_199], %swap3A_202 {strides = array<i32>} : memref<80x128xf32, #tpu.memory_space<vmem>>, vector<1x16xf32>,
          %get3A_203 = arith.index_cast %scan3A_147 : i32 to index
          %get3A_204 = arith.constant 64 : index
          %get3A_205 = tpu.vector_load %arg13[%get3A_203, %get3A_204] {strides = array<i32>} : memref<80x128xf32, #tpu.memory_space<vmem>>, vector<1x16xf32>,
          %get3A_206 = vector.shape_cast %get3A_205 : vector<1x16xf32> to vector<16xf32>
          %get3A_207 = arith.index_cast %scan3A_147 : i32 to index
          %get3A_208 = arith.constant 64 : index
          %get3A_209 = tpu.vector_load %arg15[%get3A_207, %get3A_208] {strides = array<i32>} : memref<80x128xf32, #tpu.memory_space<vmem>>, vector<1x16xf32>,
          %get3A_210 = vector.shape_cast %get3A_209 : vector<1x16xf32> to vector<16xf32>
          %mul3A_211 = arith.mulf %get3A_206, %get3A_210 : vector<16xf32>
          %swap3A_212 = arith.index_cast %scan3A_147 : i32 to index
          %swap3A_213 = arith.constant 64 : index
          %swap3A_214 = tpu.vector_load %arg13[%swap3A_212, %swap3A_213] {strides = array<i32>} : memref<80x128xf32, #tpu.memory_space<vmem>>, vector<1x16xf32>,
          %swap3A_215 = vector.shape_cast %swap3A_214 : vector<1x16xf32> to vector<16xf32>
          %swap3A_216 = vector.shape_cast %mul3A_211 : vector<16xf32> to vector<1x16xf32>
          tpu.vector_store %arg13[%swap3A_212, %swap3A_213], %swap3A_216 {strides = array<i32>} : memref<80x128xf32, #tpu.memory_space<vmem>>, vector<1x16xf32>,
          %get3A_217 = arith.index_cast %scan3A_147 : i32 to index
          %get3A_218 = arith.constant 80 : index
          %get3A_219 = tpu.vector_load %arg13[%get3A_217, %get3A_218] {strides = array<i32>} : memref<80x128xf32, #tpu.memory_space<vmem>>, vector<1x16xf32>,
          %get3A_220 = vector.shape_cast %get3A_219 : vector<1x16xf32> to vector<16xf32>
          %get3A_221 = arith.index_cast %scan3A_147 : i32 to index
          %get3A_222 = arith.constant 80 : index
          %get3A_223 = tpu.vector_load %arg15[%get3A_221, %get3A_222] {strides = array<i32>} : memref<80x128xf32, #tpu.memory_space<vmem>>, vector<1x16xf32>,
          %get3A_224 = vector.shape_cast %get3A_223 : vector<1x16xf32> to vector<16xf32>
          %mul3A_225 = arith.mulf %get3A_220, %get3A_224 : vector<16xf32>
          %swap3A_226 = arith.index_cast %scan3A_147 : i32 to index
          %swap3A_227 = arith.constant 80 : index
          %swap3A_228 = tpu.vector_load %arg13[%swap3A_226, %swap3A_227] {strides = array<i32>} : memref<80x128xf32, #tpu.memory_space<vmem>>, vector<1x16xf32>,
          %swap3A_229 = vector.shape_cast %swap3A_228 : vector<1x16xf32> to vector<16xf32>
          %swap3A_230 = vector.shape_cast %mul3A_225 : vector<16xf32> to vector<1x16xf32>
          tpu.vector_store %arg13[%swap3A_226, %swap3A_227], %swap3A_230 {strides = array<i32>} : memref<80x128xf32, #tpu.memory_space<vmem>>, vector<1x16xf32>,
          %get3A_231 = arith.index_cast %scan3A_147 : i32 to index
          %get3A_232 = arith.constant 96 : index
          %get3A_233 = tpu.vector_load %arg13[%get3A_231, %get3A_232] {strides = array<i32>} : memref<80x128xf32, #tpu.memory_space<vmem>>, vector<1x16xf32>,
          %get3A_234 = vector.shape_cast %get3A_233 : vector<1x16xf32> to vector<16xf32>
          %get3A_235 = arith.index_cast %scan3A_147 : i32 to index
          %get3A_236 = arith.constant 96 : index
          %get3A_237 = tpu.vector_load %arg15[%get3A_235, %get3A_236] {strides = array<i32>} : memref<80x128xf32, #tpu.memory_space<vmem>>, vector<1x16xf32>,
          %get3A_238 = vector.shape_cast %get3A_237 : vector<1x16xf32> to vector<16xf32>
          %mul3A_239 = arith.mulf %get3A_234, %get3A_238 : vector<16xf32>
          %swap3A_240 = arith.index_cast %scan3A_147 : i32 to index
          %swap3A_241 = arith.constant 96 : index
          %swap3A_242 = tpu.vector_load %arg13[%swap3A_240, %swap3A_241] {strides = array<i32>} : memref<80x128xf32, #tpu.memory_space<vmem>>, vector<1x16xf32>,
          %swap3A_243 = vector.shape_cast %swap3A_242 : vector<1x16xf32> to vector<16xf32>
          %swap3A_244 = vector.shape_cast %mul3A_239 : vector<16xf32> to vector<1x16xf32>
          tpu.vector_store %arg13[%swap3A_240, %swap3A_241], %swap3A_244 {strides = array<i32>} : memref<80x128xf32, #tpu.memory_space<vmem>>, vector<1x16xf32>,
          %get3A_245 = arith.index_cast %scan3A_147 : i32 to index
          %get3A_246 = arith.constant 112 : index
          %get3A_247 = tpu.vector_load %arg13[%get3A_245, %get3A_246] {strides = array<i32>} : memref<80x128xf32, #tpu.memory_space<vmem>>, vector<1x16xf32>,
          %get3A_248 = vector.shape_cast %get3A_247 : vector<1x16xf32> to vector<16xf32>
          %get3A_249 = arith.index_cast %scan3A_147 : i32 to index
          %get3A_250 = arith.constant 112 : index
          %get3A_251 = tpu.vector_load %arg15[%get3A_249, %get3A_250] {strides = array<i32>} : memref<80x128xf32, #tpu.memory_space<vmem>>, vector<1x16xf32>,
          %get3A_252 = vector.shape_cast %get3A_251 : vector<1x16xf32> to vector<16xf32>
          %mul3A_253 = arith.mulf %get3A_248, %get3A_252 : vector<16xf32>
          %swap3A_254 = arith.index_cast %scan3A_147 : i32 to index
          %swap3A_255 = arith.constant 112 : index
          %swap3A_256 = tpu.vector_load %arg13[%swap3A_254, %swap3A_255] {strides = array<i32>} : memref<80x128xf32, #tpu.memory_space<vmem>>, vector<1x16xf32>,
          %swap3A_257 = vector.shape_cast %swap3A_256 : vector<1x16xf32> to vector<16xf32>
          %swap3A_258 = vector.shape_cast %mul3A_253 : vector<16xf32> to vector<1x16xf32>
          tpu.vector_store %arg13[%swap3A_254, %swap3A_255], %swap3A_258 {strides = array<i32>} : memref<80x128xf32, #tpu.memory_space<vmem>>, vector<1x16xf32>,
          %scan3A_259 = arith.constant 0 : i32
          scf.yield %scan3A_259 : i32
        }
        %scan3A_139 = arith.constant 80 : i32
        %dma_start3A_140 = arith.constant 0 : i32
        %dma_start3A_141 = arith.constant 0 : i32
        %dma_start3A_142 = tpu.memref_slice %arg11[%dma_start3A_140, %dma_start3A_141] : memref<2x80xi32, #tpu.memory_space<vmem>> -> memref<1x80xi32, #tpu.memory_space<vmem>>
        %dma_start3A_143 = tpu.memref_squeeze %dma_start3A_142 : memref<1x80xi32, #tpu.memory_space<vmem>> -> memref<80xi32, #tpu.memory_space<vmem>>
        %dma_start3A_144 = arith.constant 0 : i32
        %dma_start3A_145 = arith.constant 0 : i32
        %dma_start3A_146 = tpu.memref_slice %arg17[%dma_start3A_144, %dma_start3A_145] : memref<10240x128xf32, #tpu.memory_space<vmem_shared>> -> memref<10240x128xf32, #tpu.memory_space<vmem_shared>>
        tpu.enqueue_indirect_dma source(%arg13 : memref<80x128xf32, #tpu.memory_space<vmem>>) target(%dma_start3A_146 : memref<10240x128xf32, #tpu.memory_space<vmem_shared>>) offsets(%dma_start3A_143 : memref<80xi32, #tpu.memory_space<vmem>>) semaphore(%arg21 : memref<!tpu.dma_semaphore, #tpu.memory_space<semaphore_mem>>) {add = true}
      } else {
      }
      %not3A = arith.constant true
      %not3A_104 = arith.xori %eq3A_102, %not3A : i1
      %convert_element_type3A_105 = arith.extui %not3A_104 : i1 to i32
      %cond3A_106 = arith.constant 0 : i32
      %cond3A_107 = arith.cmpi ne, %convert_element_type3A_105, %cond3A_106 : i32
      scf.if %cond3A_107 {
        %dma_wait3A_109 = arith.constant 0 : i32
        %dma_wait3A_110 = arith.constant 0 : i32
        %dma_wait3A_111 = tpu.memref_slice %arg11[%dma_wait3A_109, %dma_wait3A_110] : memref<2x80xi32, #tpu.memory_space<vmem>> -> memref<1x80xi32, #tpu.memory_space<vmem>>
        %dma_wait3A_112 = tpu.memref_squeeze %dma_wait3A_111 : memref<1x80xi32, #tpu.memory_space<vmem>> -> memref<80xi32, #tpu.memory_space<vmem>>
        %dma_wait3A_113 = arith.constant 0 : i32
        %dma_wait3A_114 = arith.constant 0 : i32
        %dma_wait3A_115 = tpu.memref_slice %arg17[%dma_wait3A_113, %dma_wait3A_114] : memref<10240x128xf32, #tpu.memory_space<vmem_shared>> -> memref<10240x128xf32, #tpu.memory_space<vmem_shared>>
        tpu.wait_indirect_dma semaphore(%arg21 : memref<!tpu.dma_semaphore, #tpu.memory_space<semaphore_mem>>) src(%arg13 : memref<80x128xf32, #tpu.memory_space<vmem>>) dst(%dma_wait3A_115 : memref<10240x128xf32, #tpu.memory_space<vmem_shared>>)
        %add3A_116 = arith.constant 1 : i32
        %add3A_117 = arith.addi %scan3A_90, %add3A_116 : i32
        %lt3A_118 = arith.constant 125 : i32
        %lt3A_119 = arith.cmpi slt, %add3A_117, %lt3A_118 : i32
        %convert_element_type3A_120 = arith.extui %lt3A_119 : i1 to i32
        %cond3A_121 = arith.constant 0 : i32
        %cond3A_122 = arith.cmpi ne, %convert_element_type3A_120, %cond3A_121 : i32
        scf.if %cond3A_122 {
          %add3A_150 = arith.constant 1 : i32
          %add3A_151 = arith.addi %scan3A_90, %add3A_150 : i32
          %run_scoped3A_152 = arith.constant 0 : i32
          "tpu.region"() ({
            %run_scoped3A_170 = tpu.sem_alloc : memref<!tpu.dma_semaphore, #tpu.memory_space<semaphore_mem>>
            %dma_start3A_171 = arith.constant 0 : i32
            %dma_start3A_172 = tpu.memref_slice %arg10[%run_scoped3A_152, %dma_start3A_171] : memref<2x80xi32, #tpu.memory_space<vmem>> -> memref<1x80xi32, #tpu.memory_space<vmem>>
            %dma_start3A_173 = tpu.memref_squeeze %dma_start3A_172 : memref<1x80xi32, #tpu.memory_space<vmem>> -> memref<80xi32, #tpu.memory_space<vmem>>
            %dma_start3A_174 = arith.constant 0 : i32
            %dma_start3A_175 = tpu.memref_slice %arg2[%add3A, %add3A_151, %dma_start3A_174] : memref<32x125x80xi32, #tpu.memory_space<hbm>> -> memref<1x1x80xi32, #tpu.memory_space<hbm>>
            %dma_start3A_176 = tpu.memref_squeeze %dma_start3A_175 : memref<1x1x80xi32, #tpu.memory_space<hbm>> -> memref<80xi32, #tpu.memory_space<hbm>>
            %dma_start3A_177 = arith.constant 0 : i32
            %dma_start3A_178 = tpu.memref_slice %arg10[%run_scoped3A_152, %dma_start3A_177] : memref<2x80xi32, #tpu.memory_space<vmem>> -> memref<1x80xi32, #tpu.memory_space<vmem>>
            %dma_start3A_179 = tpu.memref_squeeze %dma_start3A_178 : memref<1x80xi32, #tpu.memory_space<vmem>> -> memref<80xi32, #tpu.memory_space<vmem>>
            %dma_start3A_180 = arith.constant 0 : i32
            %dma_start3A_181 = tpu.memref_slice %arg2[%add3A, %add3A_151, %dma_start3A_180] : memref<32x125x80xi32, #tpu.memory_space<hbm>> -> memref<1x1x80xi32, #tpu.memory_space<hbm>>
            %dma_start3A_182 = tpu.memref_squeeze %dma_start3A_181 : memref<1x1x80xi32, #tpu.memory_space<hbm>> -> memref<80xi32, #tpu.memory_space<hbm>>
            tpu.enqueue_dma source(%dma_start3A_182 : memref<80xi32, #tpu.memory_space<hbm>>) target(%dma_start3A_179 : memref<80xi32, #tpu.memory_space<vmem>>) target_semaphore(%run_scoped3A_170 : memref<!tpu.dma_semaphore, #tpu.memory_space<semaphore_mem>>)
            %dma_wait3A_183 = arith.constant 0 : i32
            %dma_wait3A_184 = tpu.memref_slice %arg10[%run_scoped3A_152, %dma_wait3A_183] : memref<2x80xi32, #tpu.memory_space<vmem>> -> memref<1x80xi32, #tpu.memory_space<vmem>>
            %dma_wait3A_185 = tpu.memref_squeeze %dma_wait3A_184 : memref<1x80xi32, #tpu.memory_space<vmem>> -> memref<80xi32, #tpu.memory_space<vmem>>
            %dma_wait3A_186 = arith.constant 0 : i32
            %dma_wait3A_187 = tpu.memref_slice %arg2[%add3A, %add3A_151, %dma_wait3A_186] : memref<32x125x80xi32, #tpu.memory_space<hbm>> -> memref<1x1x80xi32, #tpu.memory_space<hbm>>
            %dma_wait3A_188 = tpu.memref_squeeze %dma_wait3A_187 : memref<1x1x80xi32, #tpu.memory_space<hbm>> -> memref<80xi32, #tpu.memory_space<hbm>>
            %dma_wait3A_189 = arith.constant 0 : i32
            %dma_wait3A_190 = tpu.memref_slice %arg10[%run_scoped3A_152, %dma_wait3A_189] : memref<2x80xi32, #tpu.memory_space<vmem>> -> memref<1x80xi32, #tpu.memory_space<vmem>>
            %dma_wait3A_191 = tpu.memref_squeeze %dma_wait3A_190 : memref<1x80xi32, #tpu.memory_space<vmem>> -> memref<80xi32, #tpu.memory_space<vmem>>
            %dma_wait3A_192 = arith.constant 0 : i32
            %dma_wait3A_193 = tpu.memref_slice %arg2[%add3A, %add3A_151, %dma_wait3A_192] : memref<32x125x80xi32, #tpu.memory_space<hbm>> -> memref<1x1x80xi32, #tpu.memory_space<hbm>>
            %dma_wait3A_194 = tpu.memref_squeeze %dma_wait3A_193 : memref<1x1x80xi32, #tpu.memory_space<hbm>> -> memref<80xi32, #tpu.memory_space<hbm>>
            tpu.wait_dma2 semaphore(%run_scoped3A_170 : memref<!tpu.dma_semaphore, #tpu.memory_space<semaphore_mem>>) src(%dma_wait3A_194 : memref<80xi32, #tpu.memory_space<hbm>>) dst(%dma_wait3A_191 : memref<80xi32, #tpu.memory_space<vmem>>)
            tpu.yield
          }) : () -> ()
          %run_scoped3A_153 = arith.constant 0 : i32
          "tpu.region"() ({
            %run_scoped3A_170 = tpu.sem_alloc : memref<!tpu.dma_semaphore, #tpu.memory_space<semaphore_mem>>
            %dma_start3A_171 = arith.constant 0 : i32
            %dma_start3A_172 = tpu.memref_slice %arg11[%run_scoped3A_153, %dma_start3A_171] : memref<2x80xi32, #tpu.memory_space<vmem>> -> memref<1x80xi32, #tpu.memory_space<vmem>>
            %dma_start3A_173 = tpu.memref_squeeze %dma_start3A_172 : memref<1x80xi32, #tpu.memory_space<vmem>> -> memref<80xi32, #tpu.memory_space<vmem>>
            %dma_start3A_174 = arith.constant 0 : i32
            %dma_start3A_175 = tpu.memref_slice %arg3[%add3A, %add3A_151, %dma_start3A_174] : memref<32x125x80xi32, #tpu.memory_space<hbm>> -> memref<1x1x80xi32, #tpu.memory_space<hbm>>
            %dma_start3A_176 = tpu.memref_squeeze %dma_start3A_175 : memref<1x1x80xi32, #tpu.memory_space<hbm>> -> memref<80xi32, #tpu.memory_space<hbm>>
            %dma_start3A_177 = arith.constant 0 : i32
            %dma_start3A_178 = tpu.memref_slice %arg11[%run_scoped3A_153, %dma_start3A_177] : memref<2x80xi32, #tpu.memory_space<vmem>> -> memref<1x80xi32, #tpu.memory_space<vmem>>
            %dma_start3A_179 = tpu.memref_squeeze %dma_start3A_178 : memref<1x80xi32, #tpu.memory_space<vmem>> -> memref<80xi32, #tpu.memory_space<vmem>>
            %dma_start3A_180 = arith.constant 0 : i32
            %dma_start3A_181 = tpu.memref_slice %arg3[%add3A, %add3A_151, %dma_start3A_180] : memref<32x125x80xi32, #tpu.memory_space<hbm>> -> memref<1x1x80xi32, #tpu.memory_space<hbm>>
            %dma_start3A_182 = tpu.memref_squeeze %dma_start3A_181 : memref<1x1x80xi32, #tpu.memory_space<hbm>> -> memref<80xi32, #tpu.memory_space<hbm>>
            tpu.enqueue_dma source(%dma_start3A_182 : memref<80xi32, #tpu.memory_space<hbm>>) target(%dma_start3A_179 : memref<80xi32, #tpu.memory_space<vmem>>) target_semaphore(%run_scoped3A_170 : memref<!tpu.dma_semaphore, #tpu.memory_space<semaphore_mem>>)
            %dma_wait3A_183 = arith.constant 0 : i32
            %dma_wait3A_184 = tpu.memref_slice %arg11[%run_scoped3A_153, %dma_wait3A_183] : memref<2x80xi32, #tpu.memory_space<vmem>> -> memref<1x80xi32, #tpu.memory_space<vmem>>
            %dma_wait3A_185 = tpu.memref_squeeze %dma_wait3A_184 : memref<1x80xi32, #tpu.memory_space<vmem>> -> memref<80xi32, #tpu.memory_space<vmem>>
            %dma_wait3A_186 = arith.constant 0 : i32
            %dma_wait3A_187 = tpu.memref_slice %arg3[%add3A, %add3A_151, %dma_wait3A_186] : memref<32x125x80xi32, #tpu.memory_space<hbm>> -> memref<1x1x80xi32, #tpu.memory_space<hbm>>
            %dma_wait3A_188 = tpu.memref_squeeze %dma_wait3A_187 : memref<1x1x80xi32, #tpu.memory_space<hbm>> -> memref<80xi32, #tpu.memory_space<hbm>>
            %dma_wait3A_189 = arith.constant 0 : i32
            %dma_wait3A_190 = tpu.memref_slice %arg11[%run_scoped3A_153, %dma_wait3A_189] : memref<2x80xi32, #tpu.memory_space<vmem>> -> memref<1x80xi32, #tpu.memory_space<vmem>>
            %dma_wait3A_191 = tpu.memref_squeeze %dma_wait3A_190 : memref<1x80xi32, #tpu.memory_space<vmem>> -> memref<80xi32, #tpu.memory_space<vmem>>
            %dma_wait3A_192 = arith.constant 0 : i32
            %dma_wait3A_193 = tpu.memref_slice %arg3[%add3A, %add3A_151, %dma_wait3A_192] : memref<32x125x80xi32, #tpu.memory_space<hbm>> -> memref<1x1x80xi32, #tpu.memory_space<hbm>>
            %dma_wait3A_194 = tpu.memref_squeeze %dma_wait3A_193 : memref<1x1x80xi32, #tpu.memory_space<hbm>> -> memref<80xi32, #tpu.memory_space<hbm>>
            tpu.wait_dma2 semaphore(%run_scoped3A_170 : memref<!tpu.dma_semaphore, #tpu.memory_space<semaphore_mem>>) src(%dma_wait3A_194 : memref<80xi32, #tpu.memory_space<hbm>>) dst(%dma_wait3A_191 : memref<80xi32, #tpu.memory_space<vmem>>)
            tpu.yield
          }) : () -> ()
          %dma_start3A_154 = arith.constant 0 : i32
          %dma_start3A_155 = arith.constant 0 : i32
          %dma_start3A_156 = tpu.memref_slice %arg10[%dma_start3A_154, %dma_start3A_155] : memref<2x80xi32, #tpu.memory_space<vmem>> -> memref<1x80xi32, #tpu.memory_space<vmem>>
          %dma_start3A_157 = tpu.memref_squeeze %dma_start3A_156 : memref<1x80xi32, #tpu.memory_space<vmem>> -> memref<80xi32, #tpu.memory_space<vmem>>
          %dma_start3A_158 = arith.constant 0 : i32
          %dma_start3A_159 = arith.constant 0 : i32
          %dma_start3A_160 = tpu.memref_slice %arg6[%dma_start3A_158, %dma_start3A_159] : memref<10000x128xf32, #tpu.memory_space<hbm>> -> memref<10000x128xf32, #tpu.memory_space<hbm>>
          tpu.enqueue_indirect_dma source(%dma_start3A_160 : memref<10000x128xf32, #tpu.memory_space<hbm>>) target(%arg13 : memref<80x128xf32, #tpu.memory_space<vmem>>) offsets(%dma_start3A_157 : memref<80xi32, #tpu.memory_space<vmem>>) semaphore(%arg19 : memref<!tpu.dma_semaphore, #tpu.memory_space<semaphore_mem>>)
          %mul3A_161 = arith.constant 10000 : i32
          %mul3A_162 = arith.muli %add3A, %mul3A_161 : i32
          %mul3A_163 = arith.constant 80 : i32
          %mul3A_164 = arith.muli %add3A_151, %mul3A_163 : i32
          %add3A_165 = arith.addi %mul3A_162, %mul3A_164 : i32
          %dma_start3A_166 = arith.constant 0 : i32
          %dma_start3A_167 = tpu.memref_slice %arg5[%add3A_165, %dma_start3A_166] : memref<320000x128xf32, #tpu.memory_space<hbm>> -> memref<80x128xf32, #tpu.memory_space<hbm>>
          %dma_start3A_168 = arith.constant 0 : i32
          %dma_start3A_169 = tpu.memref_slice %arg5[%add3A_165, %dma_start3A_168] : memref<320000x128xf32, #tpu.memory_space<hbm>> -> memref<80x128xf32, #tpu.memory_space<hbm>>
          tpu.enqueue_dma source(%dma_start3A_169 : memref<80x128xf32, #tpu.memory_space<hbm>>) target(%arg15 : memref<80x128xf32, #tpu.memory_space<vmem>>) target_semaphore(%arg19 : memref<!tpu.dma_semaphore, #tpu.memory_space<semaphore_mem>>)
        } else {
        }
        %dma_wait3A_123 = arith.constant 0 : i32
        %dma_wait3A_124 = arith.constant 0 : i32
        %dma_wait3A_125 = tpu.memref_slice %arg10[%dma_wait3A_123, %dma_wait3A_124] : memref<2x80xi32, #tpu.memory_space<vmem>> -> memref<1x80xi32, #tpu.memory_space<vmem>>
        %dma_wait3A_126 = tpu.memref_squeeze %dma_wait3A_125 : memref<1x80xi32, #tpu.memory_space<vmem>> -> memref<80xi32, #tpu.memory_space<vmem>>
        %dma_wait3A_127 = arith.constant 0 : i32
        %dma_wait3A_128 = arith.constant 0 : i32
        %dma_wait3A_129 = tpu.memref_slice %arg6[%dma_wait3A_127, %dma_wait3A_128] : memref<10000x128xf32, #tpu.memory_space<hbm>> -> memref<10000x128xf32, #tpu.memory_space<hbm>>
        tpu.wait_indirect_dma semaphore(%arg20 : memref<!tpu.dma_semaphore, #tpu.memory_space<semaphore_mem>>) src(%dma_wait3A_129 : memref<10000x128xf32, #tpu.memory_space<hbm>>) dst(%arg14 : memref<80x128xf32, #tpu.memory_space<vmem>>)
        %dma_wait3A_130 = arith.constant 0 : i32
        %dma_wait3A_131 = arith.constant 0 : i32
        %dma_wait3A_132 = tpu.memref_slice %arg5[%dma_wait3A_130, %dma_wait3A_131] : memref<320000x128xf32, #tpu.memory_space<hbm>> -> memref<80x128xf32, #tpu.memory_space<hbm>>
        %dma_wait3A_133 = arith.constant 0 : i32
        %dma_wait3A_134 = arith.constant 0 : i32
        %dma_wait3A_135 = tpu.memref_slice %arg5[%dma_wait3A_133, %dma_wait3A_134] : memref<320000x128xf32, #tpu.memory_space<hbm>> -> memref<80x128xf32, #tpu.memory_space<hbm>>
        tpu.wait_dma2 semaphore(%arg20 : memref<!tpu.dma_semaphore, #tpu.memory_space<semaphore_mem>>) src(%dma_wait3A_135 : memref<80x128xf32, #tpu.memory_space<hbm>>) dst(%arg16 : memref<80x128xf32, #tpu.memory_space<vmem>>)
        %scan3A_136 = arith.constant 0 : i32
        %scan3A_137 = arith.constant 0 : i32
        %scan3A_138 = arith.constant 80 : i32
        %scan3A_139 = arith.addi %scan3A_137, %scan3A_138 : i32
        %scan3A_140 = arith.constant 1 : i32
        %scan3A_141 = scf.for %scan3A_150 = %scan3A_137 to %scan3A_139 step %scan3A_140 iter_args(%scan3A_151 = %scan3A_136) -> (i32)  : i32 {
          %get3A = arith.index_cast %scan3A_150 : i32 to index
          %get3A_152 = arith.constant 0 : index
          %get3A_153 = tpu.vector_load %arg14[%get3A, %get3A_152] {strides = array<i32>} : memref<80x128xf32, #tpu.memory_space<vmem>>, vector<1x16xf32>,
          %get3A_154 = vector.shape_cast %get3A_153 : vector<1x16xf32> to vector<16xf32>
          %get3A_155 = arith.index_cast %scan3A_150 : i32 to index
          %get3A_156 = arith.constant 0 : index
          %get3A_157 = tpu.vector_load %arg16[%get3A_155, %get3A_156] {strides = array<i32>} : memref<80x128xf32, #tpu.memory_space<vmem>>, vector<1x16xf32>,
          %get3A_158 = vector.shape_cast %get3A_157 : vector<1x16xf32> to vector<16xf32>
          %mul3A_159 = arith.mulf %get3A_154, %get3A_158 : vector<16xf32>
          %swap3A = arith.index_cast %scan3A_150 : i32 to index
          %swap3A_160 = arith.constant 0 : index
          %swap3A_161 = tpu.vector_load %arg14[%swap3A, %swap3A_160] {strides = array<i32>} : memref<80x128xf32, #tpu.memory_space<vmem>>, vector<1x16xf32>,
          %swap3A_162 = vector.shape_cast %swap3A_161 : vector<1x16xf32> to vector<16xf32>
          %swap3A_163 = vector.shape_cast %mul3A_159 : vector<16xf32> to vector<1x16xf32>
          tpu.vector_store %arg14[%swap3A, %swap3A_160], %swap3A_163 {strides = array<i32>} : memref<80x128xf32, #tpu.memory_space<vmem>>, vector<1x16xf32>,
          %get3A_164 = arith.index_cast %scan3A_150 : i32 to index
          %get3A_165 = arith.constant 16 : index
          %get3A_166 = tpu.vector_load %arg14[%get3A_164, %get3A_165] {strides = array<i32>} : memref<80x128xf32, #tpu.memory_space<vmem>>, vector<1x16xf32>,
          %get3A_167 = vector.shape_cast %get3A_166 : vector<1x16xf32> to vector<16xf32>
          %get3A_168 = arith.index_cast %scan3A_150 : i32 to index
          %get3A_169 = arith.constant 16 : index
          %get3A_170 = tpu.vector_load %arg16[%get3A_168, %get3A_169] {strides = array<i32>} : memref<80x128xf32, #tpu.memory_space<vmem>>, vector<1x16xf32>,
          %get3A_171 = vector.shape_cast %get3A_170 : vector<1x16xf32> to vector<16xf32>
          %mul3A_172 = arith.mulf %get3A_167, %get3A_171 : vector<16xf32>
          %swap3A_173 = arith.index_cast %scan3A_150 : i32 to index
          %swap3A_174 = arith.constant 16 : index
          %swap3A_175 = tpu.vector_load %arg14[%swap3A_173, %swap3A_174] {strides = array<i32>} : memref<80x128xf32, #tpu.memory_space<vmem>>, vector<1x16xf32>,
          %swap3A_176 = vector.shape_cast %swap3A_175 : vector<1x16xf32> to vector<16xf32>
          %swap3A_177 = vector.shape_cast %mul3A_172 : vector<16xf32> to vector<1x16xf32>
          tpu.vector_store %arg14[%swap3A_173, %swap3A_174], %swap3A_177 {strides = array<i32>} : memref<80x128xf32, #tpu.memory_space<vmem>>, vector<1x16xf32>,
          %get3A_178 = arith.index_cast %scan3A_150 : i32 to index
          %get3A_179 = arith.constant 32 : index
          %get3A_180 = tpu.vector_load %arg14[%get3A_178, %get3A_179] {strides = array<i32>} : memref<80x128xf32, #tpu.memory_space<vmem>>, vector<1x16xf32>,
          %get3A_181 = vector.shape_cast %get3A_180 : vector<1x16xf32> to vector<16xf32>
          %get3A_182 = arith.index_cast %scan3A_150 : i32 to index
          %get3A_183 = arith.constant 32 : index
          %get3A_184 = tpu.vector_load %arg16[%get3A_182, %get3A_183] {strides = array<i32>} : memref<80x128xf32, #tpu.memory_space<vmem>>, vector<1x16xf32>,
          %get3A_185 = vector.shape_cast %get3A_184 : vector<1x16xf32> to vector<16xf32>
          %mul3A_186 = arith.mulf %get3A_181, %get3A_185 : vector<16xf32>
          %swap3A_187 = arith.index_cast %scan3A_150 : i32 to index
          %swap3A_188 = arith.constant 32 : index
          %swap3A_189 = tpu.vector_load %arg14[%swap3A_187, %swap3A_188] {strides = array<i32>} : memref<80x128xf32, #tpu.memory_space<vmem>>, vector<1x16xf32>,
          %swap3A_190 = vector.shape_cast %swap3A_189 : vector<1x16xf32> to vector<16xf32>
          %swap3A_191 = vector.shape_cast %mul3A_186 : vector<16xf32> to vector<1x16xf32>
          tpu.vector_store %arg14[%swap3A_187, %swap3A_188], %swap3A_191 {strides = array<i32>} : memref<80x128xf32, #tpu.memory_space<vmem>>, vector<1x16xf32>,
          %get3A_192 = arith.index_cast %scan3A_150 : i32 to index
          %get3A_193 = arith.constant 48 : index
          %get3A_194 = tpu.vector_load %arg14[%get3A_192, %get3A_193] {strides = array<i32>} : memref<80x128xf32, #tpu.memory_space<vmem>>, vector<1x16xf32>,
          %get3A_195 = vector.shape_cast %get3A_194 : vector<1x16xf32> to vector<16xf32>
          %get3A_196 = arith.index_cast %scan3A_150 : i32 to index
          %get3A_197 = arith.constant 48 : index
          %get3A_198 = tpu.vector_load %arg16[%get3A_196, %get3A_197] {strides = array<i32>} : memref<80x128xf32, #tpu.memory_space<vmem>>, vector<1x16xf32>,
          %get3A_199 = vector.shape_cast %get3A_198 : vector<1x16xf32> to vector<16xf32>
          %mul3A_200 = arith.mulf %get3A_195, %get3A_199 : vector<16xf32>
          %swap3A_201 = arith.index_cast %scan3A_150 : i32 to index
          %swap3A_202 = arith.constant 48 : index
          %swap3A_203 = tpu.vector_load %arg14[%swap3A_201, %swap3A_202] {strides = array<i32>} : memref<80x128xf32, #tpu.memory_space<vmem>>, vector<1x16xf32>,
          %swap3A_204 = vector.shape_cast %swap3A_203 : vector<1x16xf32> to vector<16xf32>
          %swap3A_205 = vector.shape_cast %mul3A_200 : vector<16xf32> to vector<1x16xf32>
          tpu.vector_store %arg14[%swap3A_201, %swap3A_202], %swap3A_205 {strides = array<i32>} : memref<80x128xf32, #tpu.memory_space<vmem>>, vector<1x16xf32>,
          %get3A_206 = arith.index_cast %scan3A_150 : i32 to index
          %get3A_207 = arith.constant 64 : index
          %get3A_208 = tpu.vector_load %arg14[%get3A_206, %get3A_207] {strides = array<i32>} : memref<80x128xf32, #tpu.memory_space<vmem>>, vector<1x16xf32>,
          %get3A_209 = vector.shape_cast %get3A_208 : vector<1x16xf32> to vector<16xf32>
          %get3A_210 = arith.index_cast %scan3A_150 : i32 to index
          %get3A_211 = arith.constant 64 : index
          %get3A_212 = tpu.vector_load %arg16[%get3A_210, %get3A_211] {strides = array<i32>} : memref<80x128xf32, #tpu.memory_space<vmem>>, vector<1x16xf32>,
          %get3A_213 = vector.shape_cast %get3A_212 : vector<1x16xf32> to vector<16xf32>
          %mul3A_214 = arith.mulf %get3A_209, %get3A_213 : vector<16xf32>
          %swap3A_215 = arith.index_cast %scan3A_150 : i32 to index
          %swap3A_216 = arith.constant 64 : index
          %swap3A_217 = tpu.vector_load %arg14[%swap3A_215, %swap3A_216] {strides = array<i32>} : memref<80x128xf32, #tpu.memory_space<vmem>>, vector<1x16xf32>,
          %swap3A_218 = vector.shape_cast %swap3A_217 : vector<1x16xf32> to vector<16xf32>
          %swap3A_219 = vector.shape_cast %mul3A_214 : vector<16xf32> to vector<1x16xf32>
          tpu.vector_store %arg14[%swap3A_215, %swap3A_216], %swap3A_219 {strides = array<i32>} : memref<80x128xf32, #tpu.memory_space<vmem>>, vector<1x16xf32>,
          %get3A_220 = arith.index_cast %scan3A_150 : i32 to index
          %get3A_221 = arith.constant 80 : index
          %get3A_222 = tpu.vector_load %arg14[%get3A_220, %get3A_221] {strides = array<i32>} : memref<80x128xf32, #tpu.memory_space<vmem>>, vector<1x16xf32>,
          %get3A_223 = vector.shape_cast %get3A_222 : vector<1x16xf32> to vector<16xf32>
          %get3A_224 = arith.index_cast %scan3A_150 : i32 to index
          %get3A_225 = arith.constant 80 : index
          %get3A_226 = tpu.vector_load %arg16[%get3A_224, %get3A_225] {strides = array<i32>} : memref<80x128xf32, #tpu.memory_space<vmem>>, vector<1x16xf32>,
          %get3A_227 = vector.shape_cast %get3A_226 : vector<1x16xf32> to vector<16xf32>
          %mul3A_228 = arith.mulf %get3A_223, %get3A_227 : vector<16xf32>
          %swap3A_229 = arith.index_cast %scan3A_150 : i32 to index
          %swap3A_230 = arith.constant 80 : index
          %swap3A_231 = tpu.vector_load %arg14[%swap3A_229, %swap3A_230] {strides = array<i32>} : memref<80x128xf32, #tpu.memory_space<vmem>>, vector<1x16xf32>,
          %swap3A_232 = vector.shape_cast %swap3A_231 : vector<1x16xf32> to vector<16xf32>
          %swap3A_233 = vector.shape_cast %mul3A_228 : vector<16xf32> to vector<1x16xf32>
          tpu.vector_store %arg14[%swap3A_229, %swap3A_230], %swap3A_233 {strides = array<i32>} : memref<80x128xf32, #tpu.memory_space<vmem>>, vector<1x16xf32>,
          %get3A_234 = arith.index_cast %scan3A_150 : i32 to index
          %get3A_235 = arith.constant 96 : index
          %get3A_236 = tpu.vector_load %arg14[%get3A_234, %get3A_235] {strides = array<i32>} : memref<80x128xf32, #tpu.memory_space<vmem>>, vector<1x16xf32>,
          %get3A_237 = vector.shape_cast %get3A_236 : vector<1x16xf32> to vector<16xf32>
          %get3A_238 = arith.index_cast %scan3A_150 : i32 to index
          %get3A_239 = arith.constant 96 : index
          %get3A_240 = tpu.vector_load %arg16[%get3A_238, %get3A_239] {strides = array<i32>} : memref<80x128xf32, #tpu.memory_space<vmem>>, vector<1x16xf32>,
          %get3A_241 = vector.shape_cast %get3A_240 : vector<1x16xf32> to vector<16xf32>
          %mul3A_242 = arith.mulf %get3A_237, %get3A_241 : vector<16xf32>
          %swap3A_243 = arith.index_cast %scan3A_150 : i32 to index
          %swap3A_244 = arith.constant 96 : index
          %swap3A_245 = tpu.vector_load %arg14[%swap3A_243, %swap3A_244] {strides = array<i32>} : memref<80x128xf32, #tpu.memory_space<vmem>>, vector<1x16xf32>,
          %swap3A_246 = vector.shape_cast %swap3A_245 : vector<1x16xf32> to vector<16xf32>
          %swap3A_247 = vector.shape_cast %mul3A_242 : vector<16xf32> to vector<1x16xf32>
          tpu.vector_store %arg14[%swap3A_243, %swap3A_244], %swap3A_247 {strides = array<i32>} : memref<80x128xf32, #tpu.memory_space<vmem>>, vector<1x16xf32>,
          %get3A_248 = arith.index_cast %scan3A_150 : i32 to index
          %get3A_249 = arith.constant 112 : index
          %get3A_250 = tpu.vector_load %arg14[%get3A_248, %get3A_249] {strides = array<i32>} : memref<80x128xf32, #tpu.memory_space<vmem>>, vector<1x16xf32>,
          %get3A_251 = vector.shape_cast %get3A_250 : vector<1x16xf32> to vector<16xf32>
          %get3A_252 = arith.index_cast %scan3A_150 : i32 to index
          %get3A_253 = arith.constant 112 : index
          %get3A_254 = tpu.vector_load %arg16[%get3A_252, %get3A_253] {strides = array<i32>} : memref<80x128xf32, #tpu.memory_space<vmem>>, vector<1x16xf32>,
          %get3A_255 = vector.shape_cast %get3A_254 : vector<1x16xf32> to vector<16xf32>
          %mul3A_256 = arith.mulf %get3A_251, %get3A_255 : vector<16xf32>
          %swap3A_257 = arith.index_cast %scan3A_150 : i32 to index
          %swap3A_258 = arith.constant 112 : index
          %swap3A_259 = tpu.vector_load %arg14[%swap3A_257, %swap3A_258] {strides = array<i32>} : memref<80x128xf32, #tpu.memory_space<vmem>>, vector<1x16xf32>,
          %swap3A_260 = vector.shape_cast %swap3A_259 : vector<1x16xf32> to vector<16xf32>
          %swap3A_261 = vector.shape_cast %mul3A_256 : vector<16xf32> to vector<1x16xf32>
          tpu.vector_store %arg14[%swap3A_257, %swap3A_258], %swap3A_261 {strides = array<i32>} : memref<80x128xf32, #tpu.memory_space<vmem>>, vector<1x16xf32>,
          %scan3A_262 = arith.constant 0 : i32
          scf.yield %scan3A_262 : i32
        }
        %scan3A_142 = arith.constant 80 : i32
        %dma_start3A_143 = arith.constant 1 : i32
        %dma_start3A_144 = arith.constant 0 : i32
        %dma_start3A_145 = tpu.memref_slice %arg11[%dma_start3A_143, %dma_start3A_144] : memref<2x80xi32, #tpu.memory_space<vmem>> -> memref<1x80xi32, #tpu.memory_space<vmem>>
        %dma_start3A_146 = tpu.memref_squeeze %dma_start3A_145 : memref<1x80xi32, #tpu.memory_space<vmem>> -> memref<80xi32, #tpu.memory_space<vmem>>
        %dma_start3A_147 = arith.constant 0 : i32
        %dma_start3A_148 = arith.constant 0 : i32
        %dma_start3A_149 = tpu.memref_slice %arg17[%dma_start3A_147, %dma_start3A_148] : memref<10240x128xf32, #tpu.memory_space<vmem_shared>> -> memref<10240x128xf32, #tpu.memory_space<vmem_shared>>
        tpu.enqueue_indirect_dma source(%arg14 : memref<80x128xf32, #tpu.memory_space<vmem>>) target(%dma_start3A_149 : memref<10240x128xf32, #tpu.memory_space<vmem_shared>>) offsets(%dma_start3A_146 : memref<80xi32, #tpu.memory_space<vmem>>) semaphore(%arg22 : memref<!tpu.dma_semaphore, #tpu.memory_space<semaphore_mem>>) {add = true}
      } else {
      }
      %scan3A_108 = arith.constant 0 : i32
      scf.yield %scan3A_108 : i32
    }
    %scan3A_37 = arith.constant 125 : i32
    %dma_wait3A = arith.constant 0 : i32
    %dma_wait3A_38 = arith.constant 0 : i32
    %dma_wait3A_39 = tpu.memref_slice %arg11[%dma_wait3A, %dma_wait3A_38] : memref<2x80xi32, #tpu.memory_space<vmem>> -> memref<1x80xi32, #tpu.memory_space<vmem>>
    %dma_wait3A_40 = tpu.memref_squeeze %dma_wait3A_39 : memref<1x80xi32, #tpu.memory_space<vmem>> -> memref<80xi32, #tpu.memory_space<vmem>>
    %dma_wait3A_41 = arith.constant 0 : i32
    %dma_wait3A_42 = arith.constant 0 : i32
    %dma_wait3A_43 = tpu.memref_slice %arg17[%dma_wait3A_41, %dma_wait3A_42] : memref<10240x128xf32, #tpu.memory_space<vmem_shared>> -> memref<10240x128xf32, #tpu.memory_space<vmem_shared>>
    tpu.wait_indirect_dma semaphore(%arg21 : memref<!tpu.dma_semaphore, #tpu.memory_space<semaphore_mem>>) src(%arg13 : memref<80x128xf32, #tpu.memory_space<vmem>>) dst(%dma_wait3A_43 : memref<10240x128xf32, #tpu.memory_space<vmem_shared>>)
    %barrier3A_44 = arith.constant 0 : index
    tpu.barrier barrier_id(%barrier3A_44)
    %scan3A_45 = arith.constant 0 : i32
    %scan3A_46 = arith.constant 0 : i32
    %scan3A_47 = arith.constant 8 : i32
    %scan3A_48 = arith.addi %scan3A_46, %scan3A_47 : i32
    %scan3A_49 = arith.constant 1 : i32
    %scan3A_50 = scf.for %scan3A_90 = %scan3A_46 to %scan3A_48 step %scan3A_49 iter_args(%scan3A_91 = %scan3A_45) -> (i32)  : i32 {
      %mul3A_92 = arith.constant 640 : i32
      %mul3A_93 = arith.muli %arg1, %mul3A_92 : i32
      %mul3A_94 = arith.constant 80 : i32
      %mul3A_95 = arith.muli %scan3A_90, %mul3A_94 : i32
      %add3A_96 = arith.addi %mul3A_93, %mul3A_95 : i32
      %run_scoped3A_97 = arith.constant 0 : i32
      "tpu.region"() ({
        %run_scoped3A_113 = tpu.sem_alloc : memref<!tpu.dma_semaphore, #tpu.memory_space<semaphore_mem>>
        %dma_start3A_114 = arith.constant 0 : i32
        %dma_start3A_115 = tpu.memref_slice %arg10[%run_scoped3A_97, %dma_start3A_114] : memref<2x80xi32, #tpu.memory_space<vmem>> -> memref<1x80xi32, #tpu.memory_space<vmem>>
        %dma_start3A_116 = tpu.memref_squeeze %dma_start3A_115 : memref<1x80xi32, #tpu.memory_space<vmem>> -> memref<80xi32, #tpu.memory_space<vmem>>
        %dma_start3A_117 = tpu.memref_slice %arg7[%add3A_96] : memref<10240xi32, #tpu.memory_space<hbm>> -> memref<80xi32, #tpu.memory_space<hbm>>
        %dma_start3A_118 = arith.constant 0 : i32
        %dma_start3A_119 = tpu.memref_slice %arg10[%run_scoped3A_97, %dma_start3A_118] : memref<2x80xi32, #tpu.memory_space<vmem>> -> memref<1x80xi32, #tpu.memory_space<vmem>>
        %dma_start3A_120 = tpu.memref_squeeze %dma_start3A_119 : memref<1x80xi32, #tpu.memory_space<vmem>> -> memref<80xi32, #tpu.memory_space<vmem>>
        %dma_start3A_121 = tpu.memref_slice %arg7[%add3A_96] : memref<10240xi32, #tpu.memory_space<hbm>> -> memref<80xi32, #tpu.memory_space<hbm>>
        tpu.enqueue_dma source(%dma_start3A_121 : memref<80xi32, #tpu.memory_space<hbm>>) target(%dma_start3A_120 : memref<80xi32, #tpu.memory_space<vmem>>) target_semaphore(%run_scoped3A_113 : memref<!tpu.dma_semaphore, #tpu.memory_space<semaphore_mem>>)
        %dma_wait3A_122 = arith.constant 0 : i32
        %dma_wait3A_123 = tpu.memref_slice %arg10[%run_scoped3A_97, %dma_wait3A_122] : memref<2x80xi32, #tpu.memory_space<vmem>> -> memref<1x80xi32, #tpu.memory_space<vmem>>
        %dma_wait3A_124 = tpu.memref_squeeze %dma_wait3A_123 : memref<1x80xi32, #tpu.memory_space<vmem>> -> memref<80xi32, #tpu.memory_space<vmem>>
        %dma_wait3A_125 = tpu.memref_slice %arg7[%add3A_96] : memref<10240xi32, #tpu.memory_space<hbm>> -> memref<80xi32, #tpu.memory_space<hbm>>
        %dma_wait3A_126 = arith.constant 0 : i32
        %dma_wait3A_127 = tpu.memref_slice %arg10[%run_scoped3A_97, %dma_wait3A_126] : memref<2x80xi32, #tpu.memory_space<vmem>> -> memref<1x80xi32, #tpu.memory_space<vmem>>
        %dma_wait3A_128 = tpu.memref_squeeze %dma_wait3A_127 : memref<1x80xi32, #tpu.memory_space<vmem>> -> memref<80xi32, #tpu.memory_space<vmem>>
        %dma_wait3A_129 = tpu.memref_slice %arg7[%add3A_96] : memref<10240xi32, #tpu.memory_space<hbm>> -> memref<80xi32, #tpu.memory_space<hbm>>
        tpu.wait_dma2 semaphore(%run_scoped3A_113 : memref<!tpu.dma_semaphore, #tpu.memory_space<semaphore_mem>>) src(%dma_wait3A_129 : memref<80xi32, #tpu.memory_space<hbm>>) dst(%dma_wait3A_128 : memref<80xi32, #tpu.memory_space<vmem>>)
        tpu.yield
      }) : () -> ()
      %dma_start3A_98 = arith.constant 0 : i32
      %dma_start3A_99 = arith.constant 0 : i32
      %dma_start3A_100 = tpu.memref_slice %arg10[%dma_start3A_98, %dma_start3A_99] : memref<2x80xi32, #tpu.memory_space<vmem>> -> memref<1x80xi32, #tpu.memory_space<vmem>>
      %dma_start3A_101 = tpu.memref_squeeze %dma_start3A_100 : memref<1x80xi32, #tpu.memory_space<vmem>> -> memref<80xi32, #tpu.memory_space<vmem>>
      %dma_start3A_102 = arith.constant 0 : i32
      %dma_start3A_103 = arith.constant 0 : i32
      %dma_start3A_104 = tpu.memref_slice %arg17[%dma_start3A_102, %dma_start3A_103] : memref<10240x128xf32, #tpu.memory_space<vmem_shared>> -> memref<10240x128xf32, #tpu.memory_space<vmem_shared>>
      tpu.enqueue_indirect_dma source(%dma_start3A_104 : memref<10240x128xf32, #tpu.memory_space<vmem_shared>>) target(%arg13 : memref<80x128xf32, #tpu.memory_space<vmem>>) offsets(%dma_start3A_101 : memref<80xi32, #tpu.memory_space<vmem>>) semaphore(%arg18 : memref<!tpu.dma_semaphore, #tpu.memory_space<semaphore_mem>>)
      %dma_wait3A_105 = arith.constant 0 : i32
      %dma_wait3A_106 = arith.constant 0 : i32
      %dma_wait3A_107 = tpu.memref_slice %arg10[%dma_wait3A_105, %dma_wait3A_106] : memref<2x80xi32, #tpu.memory_space<vmem>> -> memref<1x80xi32, #tpu.memory_space<vmem>>
      %dma_wait3A_108 = tpu.memref_squeeze %dma_wait3A_107 : memref<1x80xi32, #tpu.memory_space<vmem>> -> memref<80xi32, #tpu.memory_space<vmem>>
      %dma_wait3A_109 = arith.constant 0 : i32
      %dma_wait3A_110 = arith.constant 0 : i32
      %dma_wait3A_111 = tpu.memref_slice %arg17[%dma_wait3A_109, %dma_wait3A_110] : memref<10240x128xf32, #tpu.memory_space<vmem_shared>> -> memref<10240x128xf32, #tpu.memory_space<vmem_shared>>
      tpu.wait_indirect_dma semaphore(%arg18 : memref<!tpu.dma_semaphore, #tpu.memory_space<semaphore_mem>>) src(%dma_wait3A_111 : memref<10240x128xf32, #tpu.memory_space<vmem_shared>>) dst(%arg13 : memref<80x128xf32, #tpu.memory_space<vmem>>)
      "tpu.region"() ({
        %run_scoped3A_113 = tpu.sem_alloc : memref<!tpu.dma_semaphore, #tpu.memory_space<semaphore_mem>>
        %dma_start3A_114 = arith.constant 0 : i32
        %dma_start3A_115 = tpu.memref_slice %arg8[%arg0, %add3A_96, %dma_start3A_114] : memref<2x10240x128xf32, #tpu.memory_space<hbm>> -> memref<1x80x128xf32, #tpu.memory_space<hbm>>
        %dma_start3A_116 = tpu.memref_squeeze %dma_start3A_115 : memref<1x80x128xf32, #tpu.memory_space<hbm>> -> memref<80x128xf32, #tpu.memory_space<hbm>>
        %dma_start3A_117 = arith.constant 0 : i32
        %dma_start3A_118 = tpu.memref_slice %arg8[%arg0, %add3A_96, %dma_start3A_117] : memref<2x10240x128xf32, #tpu.memory_space<hbm>> -> memref<1x80x128xf32, #tpu.memory_space<hbm>>
        %dma_start3A_119 = tpu.memref_squeeze %dma_start3A_118 : memref<1x80x128xf32, #tpu.memory_space<hbm>> -> memref<80x128xf32, #tpu.memory_space<hbm>>
        tpu.enqueue_dma source(%arg13 : memref<80x128xf32, #tpu.memory_space<vmem>>) target(%dma_start3A_119 : memref<80x128xf32, #tpu.memory_space<hbm>>) target_semaphore(%run_scoped3A_113 : memref<!tpu.dma_semaphore, #tpu.memory_space<semaphore_mem>>)
        %dma_wait3A_120 = arith.constant 0 : i32
        %dma_wait3A_121 = tpu.memref_slice %arg8[%arg0, %add3A_96, %dma_wait3A_120] : memref<2x10240x128xf32, #tpu.memory_space<hbm>> -> memref<1x80x128xf32, #tpu.memory_space<hbm>>
        %dma_wait3A_122 = tpu.memref_squeeze %dma_wait3A_121 : memref<1x80x128xf32, #tpu.memory_space<hbm>> -> memref<80x128xf32, #tpu.memory_space<hbm>>
        %dma_wait3A_123 = arith.constant 0 : i32
        %dma_wait3A_124 = tpu.memref_slice %arg8[%arg0, %add3A_96, %dma_wait3A_123] : memref<2x10240x128xf32, #tpu.memory_space<hbm>> -> memref<1x80x128xf32, #tpu.memory_space<hbm>>
        %dma_wait3A_125 = tpu.memref_squeeze %dma_wait3A_124 : memref<1x80x128xf32, #tpu.memory_space<hbm>> -> memref<80x128xf32, #tpu.memory_space<hbm>>
        tpu.wait_dma2 semaphore(%run_scoped3A_113 : memref<!tpu.dma_semaphore, #tpu.memory_space<semaphore_mem>>) src(%arg13 : memref<80x128xf32, #tpu.memory_space<vmem>>) dst(%dma_wait3A_125 : memref<80x128xf32, #tpu.memory_space<hbm>>)
        tpu.yield
      }) : () -> ()
      %scan3A_112 = arith.constant 0 : i32
      scf.yield %scan3A_112 : i32
    }
    %scan3A_51 = arith.constant 8 : i32
    %barrier3A_52 = arith.constant 0 : index
    tpu.barrier barrier_id(%barrier3A_52)
    %scan3A_53 = arith.constant 0 : i32
    %scan3A_54 = arith.constant 0 : i32
    %scan3A_55 = arith.constant 80 : i32
    %scan3A_56 = arith.addi %scan3A_54, %scan3A_55 : i32
    %scan3A_57 = arith.constant 1 : i32
    %scan3A_58 = scf.for %scan3A_90 = %scan3A_54 to %scan3A_56 step %scan3A_57 iter_args(%scan3A_91 = %scan3A_53) -> (i32)  : i32 {
      %broadcast_in_dim3A = arith.constant 0.000000e+00 : f32
      %broadcast_in_dim3A_92 = vector.broadcast %broadcast_in_dim3A : f32 to vector<16xf32>
      %swap3A = arith.index_cast %scan3A_90 : i32 to index
      %swap3A_93 = arith.constant 0 : index
      %swap3A_94 = tpu.vector_load %arg13[%swap3A, %swap3A_93] {strides = array<i32>} : memref<80x128xf32, #tpu.memory_space<vmem>>, vector<1x16xf32>,
      %swap3A_95 = vector.shape_cast %swap3A_94 : vector<1x16xf32> to vector<16xf32>
      %swap3A_96 = vector.shape_cast %broadcast_in_dim3A_92 : vector<16xf32> to vector<1x16xf32>
      tpu.vector_store %arg13[%swap3A, %swap3A_93], %swap3A_96 {strides = array<i32>} : memref<80x128xf32, #tpu.memory_space<vmem>>, vector<1x16xf32>,
      %broadcast_in_dim3A_97 = arith.constant 0.000000e+00 : f32
      %broadcast_in_dim3A_98 = vector.broadcast %broadcast_in_dim3A_97 : f32 to vector<16xf32>
      %swap3A_99 = arith.index_cast %scan3A_90 : i32 to index
      %swap3A_100 = arith.constant 16 : index
      %swap3A_101 = tpu.vector_load %arg13[%swap3A_99, %swap3A_100] {strides = array<i32>} : memref<80x128xf32, #tpu.memory_space<vmem>>, vector<1x16xf32>,
      %swap3A_102 = vector.shape_cast %swap3A_101 : vector<1x16xf32> to vector<16xf32>
      %swap3A_103 = vector.shape_cast %broadcast_in_dim3A_98 : vector<16xf32> to vector<1x16xf32>
      tpu.vector_store %arg13[%swap3A_99, %swap3A_100], %swap3A_103 {strides = array<i32>} : memref<80x128xf32, #tpu.memory_space<vmem>>, vector<1x16xf32>,
      %broadcast_in_dim3A_104 = arith.constant 0.000000e+00 : f32
      %broadcast_in_dim3A_105 = vector.broadcast %broadcast_in_dim3A_104 : f32 to vector<16xf32>
      %swap3A_106 = arith.index_cast %scan3A_90 : i32 to index
      %swap3A_107 = arith.constant 32 : index
      %swap3A_108 = tpu.vector_load %arg13[%swap3A_106, %swap3A_107] {strides = array<i32>} : memref<80x128xf32, #tpu.memory_space<vmem>>, vector<1x16xf32>,
      %swap3A_109 = vector.shape_cast %swap3A_108 : vector<1x16xf32> to vector<16xf32>
      %swap3A_110 = vector.shape_cast %broadcast_in_dim3A_105 : vector<16xf32> to vector<1x16xf32>
      tpu.vector_store %arg13[%swap3A_106, %swap3A_107], %swap3A_110 {strides = array<i32>} : memref<80x128xf32, #tpu.memory_space<vmem>>, vector<1x16xf32>,
      %broadcast_in_dim3A_111 = arith.constant 0.000000e+00 : f32
      %broadcast_in_dim3A_112 = vector.broadcast %broadcast_in_dim3A_111 : f32 to vector<16xf32>
      %swap3A_113 = arith.index_cast %scan3A_90 : i32 to index
      %swap3A_114 = arith.constant 48 : index
      %swap3A_115 = tpu.vector_load %arg13[%swap3A_113, %swap3A_114] {strides = array<i32>} : memref<80x128xf32, #tpu.memory_space<vmem>>, vector<1x16xf32>,
      %swap3A_116 = vector.shape_cast %swap3A_115 : vector<1x16xf32> to vector<16xf32>
      %swap3A_117 = vector.shape_cast %broadcast_in_dim3A_112 : vector<16xf32> to vector<1x16xf32>
      tpu.vector_store %arg13[%swap3A_113, %swap3A_114], %swap3A_117 {strides = array<i32>} : memref<80x128xf32, #tpu.memory_space<vmem>>, vector<1x16xf32>,
      %broadcast_in_dim3A_118 = arith.constant 0.000000e+00 : f32
      %broadcast_in_dim3A_119 = vector.broadcast %broadcast_in_dim3A_118 : f32 to vector<16xf32>
      %swap3A_120 = arith.index_cast %scan3A_90 : i32 to index
      %swap3A_121 = arith.constant 64 : index
      %swap3A_122 = tpu.vector_load %arg13[%swap3A_120, %swap3A_121] {strides = array<i32>} : memref<80x128xf32, #tpu.memory_space<vmem>>, vector<1x16xf32>,
      %swap3A_123 = vector.shape_cast %swap3A_122 : vector<1x16xf32> to vector<16xf32>
      %swap3A_124 = vector.shape_cast %broadcast_in_dim3A_119 : vector<16xf32> to vector<1x16xf32>
      tpu.vector_store %arg13[%swap3A_120, %swap3A_121], %swap3A_124 {strides = array<i32>} : memref<80x128xf32, #tpu.memory_space<vmem>>, vector<1x16xf32>,
      %broadcast_in_dim3A_125 = arith.constant 0.000000e+00 : f32
      %broadcast_in_dim3A_126 = vector.broadcast %broadcast_in_dim3A_125 : f32 to vector<16xf32>
      %swap3A_127 = arith.index_cast %scan3A_90 : i32 to index
      %swap3A_128 = arith.constant 80 : index
      %swap3A_129 = tpu.vector_load %arg13[%swap3A_127, %swap3A_128] {strides = array<i32>} : memref<80x128xf32, #tpu.memory_space<vmem>>, vector<1x16xf32>,
      %swap3A_130 = vector.shape_cast %swap3A_129 : vector<1x16xf32> to vector<16xf32>
      %swap3A_131 = vector.shape_cast %broadcast_in_dim3A_126 : vector<16xf32> to vector<1x16xf32>
      tpu.vector_store %arg13[%swap3A_127, %swap3A_128], %swap3A_131 {strides = array<i32>} : memref<80x128xf32, #tpu.memory_space<vmem>>, vector<1x16xf32>,
      %broadcast_in_dim3A_132 = arith.constant 0.000000e+00 : f32
      %broadcast_in_dim3A_133 = vector.broadcast %broadcast_in_dim3A_132 : f32 to vector<16xf32>
      %swap3A_134 = arith.index_cast %scan3A_90 : i32 to index
      %swap3A_135 = arith.constant 96 : index
      %swap3A_136 = tpu.vector_load %arg13[%swap3A_134, %swap3A_135] {strides = array<i32>} : memref<80x128xf32, #tpu.memory_space<vmem>>, vector<1x16xf32>,
      %swap3A_137 = vector.shape_cast %swap3A_136 : vector<1x16xf32> to vector<16xf32>
      %swap3A_138 = vector.shape_cast %broadcast_in_dim3A_133 : vector<16xf32> to vector<1x16xf32>
      tpu.vector_store %arg13[%swap3A_134, %swap3A_135], %swap3A_138 {strides = array<i32>} : memref<80x128xf32, #tpu.memory_space<vmem>>, vector<1x16xf32>,
      %broadcast_in_dim3A_139 = arith.constant 0.000000e+00 : f32
      %broadcast_in_dim3A_140 = vector.broadcast %broadcast_in_dim3A_139 : f32 to vector<16xf32>
      %swap3A_141 = arith.index_cast %scan3A_90 : i32 to index
      %swap3A_142 = arith.constant 112 : index
      %swap3A_143 = tpu.vector_load %arg13[%swap3A_141, %swap3A_142] {strides = array<i32>} : memref<80x128xf32, #tpu.memory_space<vmem>>, vector<1x16xf32>,
      %swap3A_144 = vector.shape_cast %swap3A_143 : vector<1x16xf32> to vector<16xf32>
      %swap3A_145 = vector.shape_cast %broadcast_in_dim3A_140 : vector<16xf32> to vector<1x16xf32>
      tpu.vector_store %arg13[%swap3A_141, %swap3A_142], %swap3A_145 {strides = array<i32>} : memref<80x128xf32, #tpu.memory_space<vmem>>, vector<1x16xf32>,
      %scan3A_146 = arith.constant 0 : i32
      scf.yield %scan3A_146 : i32
    }
    %scan3A_59 = arith.constant 80 : i32
    %scan3A_60 = arith.constant 0 : i32
    %scan3A_61 = arith.constant 0 : i32
    %scan3A_62 = arith.constant 8 : i32
    %scan3A_63 = arith.addi %scan3A_61, %scan3A_62 : i32
    %scan3A_64 = arith.constant 1 : i32
    %scan3A_65 = scf.for %scan3A_90 = %scan3A_61 to %scan3A_63 step %scan3A_64 iter_args(%scan3A_91 = %scan3A_60) -> (i32)  : i32 {
      %mul3A_92 = arith.constant 640 : i32
      %mul3A_93 = arith.muli %arg1, %mul3A_92 : i32
      %mul3A_94 = arith.constant 80 : i32
      %mul3A_95 = arith.muli %scan3A_90, %mul3A_94 : i32
      %add3A_96 = arith.addi %mul3A_93, %mul3A_95 : i32
      %run_scoped3A_97 = arith.constant 0 : i32
      "tpu.region"() ({
        %run_scoped3A_100 = tpu.sem_alloc : memref<!tpu.dma_semaphore, #tpu.memory_space<semaphore_mem>>
        %dma_start3A_101 = arith.constant 0 : i32
        %dma_start3A_102 = tpu.memref_slice %arg10[%run_scoped3A_97, %dma_start3A_101] : memref<2x80xi32, #tpu.memory_space<vmem>> -> memref<1x80xi32, #tpu.memory_space<vmem>>
        %dma_start3A_103 = tpu.memref_squeeze %dma_start3A_102 : memref<1x80xi32, #tpu.memory_space<vmem>> -> memref<80xi32, #tpu.memory_space<vmem>>
        %dma_start3A_104 = tpu.memref_slice %arg7[%add3A_96] : memref<10240xi32, #tpu.memory_space<hbm>> -> memref<80xi32, #tpu.memory_space<hbm>>
        %dma_start3A_105 = arith.constant 0 : i32
        %dma_start3A_106 = tpu.memref_slice %arg10[%run_scoped3A_97, %dma_start3A_105] : memref<2x80xi32, #tpu.memory_space<vmem>> -> memref<1x80xi32, #tpu.memory_space<vmem>>
        %dma_start3A_107 = tpu.memref_squeeze %dma_start3A_106 : memref<1x80xi32, #tpu.memory_space<vmem>> -> memref<80xi32, #tpu.memory_space<vmem>>
        %dma_start3A_108 = tpu.memref_slice %arg7[%add3A_96] : memref<10240xi32, #tpu.memory_space<hbm>> -> memref<80xi32, #tpu.memory_space<hbm>>
        tpu.enqueue_dma source(%dma_start3A_108 : memref<80xi32, #tpu.memory_space<hbm>>) target(%dma_start3A_107 : memref<80xi32, #tpu.memory_space<vmem>>) target_semaphore(%run_scoped3A_100 : memref<!tpu.dma_semaphore, #tpu.memory_space<semaphore_mem>>)
        %dma_wait3A_109 = arith.constant 0 : i32
        %dma_wait3A_110 = tpu.memref_slice %arg10[%run_scoped3A_97, %dma_wait3A_109] : memref<2x80xi32, #tpu.memory_space<vmem>> -> memref<1x80xi32, #tpu.memory_space<vmem>>
        %dma_wait3A_111 = tpu.memref_squeeze %dma_wait3A_110 : memref<1x80xi32, #tpu.memory_space<vmem>> -> memref<80xi32, #tpu.memory_space<vmem>>
        %dma_wait3A_112 = tpu.memref_slice %arg7[%add3A_96] : memref<10240xi32, #tpu.memory_space<hbm>> -> memref<80xi32, #tpu.memory_space<hbm>>
        %dma_wait3A_113 = arith.constant 0 : i32
        %dma_wait3A_114 = tpu.memref_slice %arg10[%run_scoped3A_97, %dma_wait3A_113] : memref<2x80xi32, #tpu.memory_space<vmem>> -> memref<1x80xi32, #tpu.memory_space<vmem>>
        %dma_wait3A_115 = tpu.memref_squeeze %dma_wait3A_114 : memref<1x80xi32, #tpu.memory_space<vmem>> -> memref<80xi32, #tpu.memory_space<vmem>>
        %dma_wait3A_116 = tpu.memref_slice %arg7[%add3A_96] : memref<10240xi32, #tpu.memory_space<hbm>> -> memref<80xi32, #tpu.memory_space<hbm>>
        tpu.wait_dma2 semaphore(%run_scoped3A_100 : memref<!tpu.dma_semaphore, #tpu.memory_space<semaphore_mem>>) src(%dma_wait3A_116 : memref<80xi32, #tpu.memory_space<hbm>>) dst(%dma_wait3A_115 : memref<80xi32, #tpu.memory_space<vmem>>)
        tpu.yield
      }) : () -> ()
      %run_scoped3A_98 = arith.constant 0 : i32
      "tpu.region"() ({
        %run_scoped3A_100 = tpu.sem_alloc : memref<!tpu.dma_semaphore, #tpu.memory_space<semaphore_mem>>
        %dma_start3A_101 = arith.constant 0 : i32
        %dma_start3A_102 = tpu.memref_slice %arg10[%run_scoped3A_98, %dma_start3A_101] : memref<2x80xi32, #tpu.memory_space<vmem>> -> memref<1x80xi32, #tpu.memory_space<vmem>>
        %dma_start3A_103 = tpu.memref_squeeze %dma_start3A_102 : memref<1x80xi32, #tpu.memory_space<vmem>> -> memref<80xi32, #tpu.memory_space<vmem>>
        %dma_start3A_104 = arith.constant 0 : i32
        %dma_start3A_105 = arith.constant 0 : i32
        %dma_start3A_106 = tpu.memref_slice %arg17[%dma_start3A_104, %dma_start3A_105] : memref<10240x128xf32, #tpu.memory_space<vmem_shared>> -> memref<10240x128xf32, #tpu.memory_space<vmem_shared>>
        tpu.enqueue_indirect_dma source(%arg13 : memref<80x128xf32, #tpu.memory_space<vmem>>) target(%dma_start3A_106 : memref<10240x128xf32, #tpu.memory_space<vmem_shared>>) offsets(%dma_start3A_103 : memref<80xi32, #tpu.memory_space<vmem>>) semaphore(%run_scoped3A_100 : memref<!tpu.dma_semaphore, #tpu.memory_space<semaphore_mem>>)
        %dma_wait3A_107 = arith.constant 0 : i32
        %dma_wait3A_108 = tpu.memref_slice %arg10[%run_scoped3A_98, %dma_wait3A_107] : memref<2x80xi32, #tpu.memory_space<vmem>> -> memref<1x80xi32, #tpu.memory_space<vmem>>
        %dma_wait3A_109 = tpu.memref_squeeze %dma_wait3A_108 : memref<1x80xi32, #tpu.memory_space<vmem>> -> memref<80xi32, #tpu.memory_space<vmem>>
        %dma_wait3A_110 = arith.constant 0 : i32
        %dma_wait3A_111 = arith.constant 0 : i32
        %dma_wait3A_112 = tpu.memref_slice %arg17[%dma_wait3A_110, %dma_wait3A_111] : memref<10240x128xf32, #tpu.memory_space<vmem_shared>> -> memref<10240x128xf32, #tpu.memory_space<vmem_shared>>
        tpu.wait_indirect_dma semaphore(%run_scoped3A_100 : memref<!tpu.dma_semaphore, #tpu.memory_space<semaphore_mem>>) src(%arg13 : memref<80x128xf32, #tpu.memory_space<vmem>>) dst(%dma_wait3A_112 : memref<10240x128xf32, #tpu.memory_space<vmem_shared>>)
        tpu.yield
      }) : () -> ()
      %scan3A_99 = arith.constant 0 : i32
      scf.yield %scan3A_99 : i32
    }
    %scan3A_66 = arith.constant 8 : i32
    %barrier3A_67 = arith.constant 0 : index
    tpu.barrier barrier_id(%barrier3A_67)
    %scan3A_68 = arith.constant 0 : i32
    %scan3A_69 = arith.constant 0 : i32
    %scan3A_70 = arith.constant 80 : i32
    %scan3A_71 = arith.addi %scan3A_69, %scan3A_70 : i32
    %scan3A_72 = arith.constant 1 : i32
    %scan3A_73 = scf.for %scan3A_90 = %scan3A_69 to %scan3A_71 step %scan3A_72 iter_args(%scan3A_91 = %scan3A_68) -> (i32)  : i32 {
      %broadcast_in_dim3A = arith.constant 1.000000e+00 : f32
      %broadcast_in_dim3A_92 = vector.broadcast %broadcast_in_dim3A : f32 to vector<16xf32>
      %swap3A = arith.index_cast %scan3A_90 : i32 to index
      %swap3A_93 = arith.constant 0 : index
      %swap3A_94 = tpu.vector_load %arg13[%swap3A, %swap3A_93] {strides = array<i32>} : memref<80x128xf32, #tpu.memory_space<vmem>>, vector<1x16xf32>,
      %swap3A_95 = vector.shape_cast %swap3A_94 : vector<1x16xf32> to vector<16xf32>
      %swap3A_96 = vector.shape_cast %broadcast_in_dim3A_92 : vector<16xf32> to vector<1x16xf32>
      tpu.vector_store %arg13[%swap3A, %swap3A_93], %swap3A_96 {strides = array<i32>} : memref<80x128xf32, #tpu.memory_space<vmem>>, vector<1x16xf32>,
      %broadcast_in_dim3A_97 = arith.constant 1.000000e+00 : f32
      %broadcast_in_dim3A_98 = vector.broadcast %broadcast_in_dim3A_97 : f32 to vector<16xf32>
      %swap3A_99 = arith.index_cast %scan3A_90 : i32 to index
      %swap3A_100 = arith.constant 16 : index
      %swap3A_101 = tpu.vector_load %arg13[%swap3A_99, %swap3A_100] {strides = array<i32>} : memref<80x128xf32, #tpu.memory_space<vmem>>, vector<1x16xf32>,
      %swap3A_102 = vector.shape_cast %swap3A_101 : vector<1x16xf32> to vector<16xf32>
      %swap3A_103 = vector.shape_cast %broadcast_in_dim3A_98 : vector<16xf32> to vector<1x16xf32>
      tpu.vector_store %arg13[%swap3A_99, %swap3A_100], %swap3A_103 {strides = array<i32>} : memref<80x128xf32, #tpu.memory_space<vmem>>, vector<1x16xf32>,
      %broadcast_in_dim3A_104 = arith.constant 1.000000e+00 : f32
      %broadcast_in_dim3A_105 = vector.broadcast %broadcast_in_dim3A_104 : f32 to vector<16xf32>
      %swap3A_106 = arith.index_cast %scan3A_90 : i32 to index
      %swap3A_107 = arith.constant 32 : index
      %swap3A_108 = tpu.vector_load %arg13[%swap3A_106, %swap3A_107] {strides = array<i32>} : memref<80x128xf32, #tpu.memory_space<vmem>>, vector<1x16xf32>,
      %swap3A_109 = vector.shape_cast %swap3A_108 : vector<1x16xf32> to vector<16xf32>
      %swap3A_110 = vector.shape_cast %broadcast_in_dim3A_105 : vector<16xf32> to vector<1x16xf32>
      tpu.vector_store %arg13[%swap3A_106, %swap3A_107], %swap3A_110 {strides = array<i32>} : memref<80x128xf32, #tpu.memory_space<vmem>>, vector<1x16xf32>,
      %broadcast_in_dim3A_111 = arith.constant 1.000000e+00 : f32
      %broadcast_in_dim3A_112 = vector.broadcast %broadcast_in_dim3A_111 : f32 to vector<16xf32>
      %swap3A_113 = arith.index_cast %scan3A_90 : i32 to index
      %swap3A_114 = arith.constant 48 : index
      %swap3A_115 = tpu.vector_load %arg13[%swap3A_113, %swap3A_114] {strides = array<i32>} : memref<80x128xf32, #tpu.memory_space<vmem>>, vector<1x16xf32>,
      %swap3A_116 = vector.shape_cast %swap3A_115 : vector<1x16xf32> to vector<16xf32>
      %swap3A_117 = vector.shape_cast %broadcast_in_dim3A_112 : vector<16xf32> to vector<1x16xf32>
      tpu.vector_store %arg13[%swap3A_113, %swap3A_114], %swap3A_117 {strides = array<i32>} : memref<80x128xf32, #tpu.memory_space<vmem>>, vector<1x16xf32>,
      %broadcast_in_dim3A_118 = arith.constant 1.000000e+00 : f32
      %broadcast_in_dim3A_119 = vector.broadcast %broadcast_in_dim3A_118 : f32 to vector<16xf32>
      %swap3A_120 = arith.index_cast %scan3A_90 : i32 to index
      %swap3A_121 = arith.constant 64 : index
      %swap3A_122 = tpu.vector_load %arg13[%swap3A_120, %swap3A_121] {strides = array<i32>} : memref<80x128xf32, #tpu.memory_space<vmem>>, vector<1x16xf32>,
      %swap3A_123 = vector.shape_cast %swap3A_122 : vector<1x16xf32> to vector<16xf32>
      %swap3A_124 = vector.shape_cast %broadcast_in_dim3A_119 : vector<16xf32> to vector<1x16xf32>
      tpu.vector_store %arg13[%swap3A_120, %swap3A_121], %swap3A_124 {strides = array<i32>} : memref<80x128xf32, #tpu.memory_space<vmem>>, vector<1x16xf32>,
      %broadcast_in_dim3A_125 = arith.constant 1.000000e+00 : f32
      %broadcast_in_dim3A_126 = vector.broadcast %broadcast_in_dim3A_125 : f32 to vector<16xf32>
      %swap3A_127 = arith.index_cast %scan3A_90 : i32 to index
      %swap3A_128 = arith.constant 80 : index
      %swap3A_129 = tpu.vector_load %arg13[%swap3A_127, %swap3A_128] {strides = array<i32>} : memref<80x128xf32, #tpu.memory_space<vmem>>, vector<1x16xf32>,
      %swap3A_130 = vector.shape_cast %swap3A_129 : vector<1x16xf32> to vector<16xf32>
      %swap3A_131 = vector.shape_cast %broadcast_in_dim3A_126 : vector<16xf32> to vector<1x16xf32>
      tpu.vector_store %arg13[%swap3A_127, %swap3A_128], %swap3A_131 {strides = array<i32>} : memref<80x128xf32, #tpu.memory_space<vmem>>, vector<1x16xf32>,
      %broadcast_in_dim3A_132 = arith.constant 1.000000e+00 : f32
      %broadcast_in_dim3A_133 = vector.broadcast %broadcast_in_dim3A_132 : f32 to vector<16xf32>
      %swap3A_134 = arith.index_cast %scan3A_90 : i32 to index
      %swap3A_135 = arith.constant 96 : index
      %swap3A_136 = tpu.vector_load %arg13[%swap3A_134, %swap3A_135] {strides = array<i32>} : memref<80x128xf32, #tpu.memory_space<vmem>>, vector<1x16xf32>,
      %swap3A_137 = vector.shape_cast %swap3A_136 : vector<1x16xf32> to vector<16xf32>
      %swap3A_138 = vector.shape_cast %broadcast_in_dim3A_133 : vector<16xf32> to vector<1x16xf32>
      tpu.vector_store %arg13[%swap3A_134, %swap3A_135], %swap3A_138 {strides = array<i32>} : memref<80x128xf32, #tpu.memory_space<vmem>>, vector<1x16xf32>,
      %broadcast_in_dim3A_139 = arith.constant 1.000000e+00 : f32
      %broadcast_in_dim3A_140 = vector.broadcast %broadcast_in_dim3A_139 : f32 to vector<16xf32>
      %swap3A_141 = arith.index_cast %scan3A_90 : i32 to index
      %swap3A_142 = arith.constant 112 : index
      %swap3A_143 = tpu.vector_load %arg13[%swap3A_141, %swap3A_142] {strides = array<i32>} : memref<80x128xf32, #tpu.memory_space<vmem>>, vector<1x16xf32>,
      %swap3A_144 = vector.shape_cast %swap3A_143 : vector<1x16xf32> to vector<16xf32>
      %swap3A_145 = vector.shape_cast %broadcast_in_dim3A_140 : vector<16xf32> to vector<1x16xf32>
      tpu.vector_store %arg13[%swap3A_141, %swap3A_142], %swap3A_145 {strides = array<i32>} : memref<80x128xf32, #tpu.memory_space<vmem>>, vector<1x16xf32>,
      %scan3A_146 = arith.constant 0 : i32
      scf.yield %scan3A_146 : i32
    }
    %scan3A_74 = arith.constant 80 : i32
    %scan3A_75 = arith.constant 0 : i32
    %scan3A_76 = arith.constant 0 : i32
    %scan3A_77 = arith.constant 25 : i32
    %scan3A_78 = arith.addi %scan3A_76, %scan3A_77 : i32
    %scan3A_79 = arith.constant 1 : i32
    %scan3A_80 = scf.for %scan3A_90 = %scan3A_76 to %scan3A_78 step %scan3A_79 iter_args(%scan3A_91 = %scan3A_75) -> (i32)  : i32 {
      "tpu.region"() ({
        %run_scoped3A_158 = tpu.sem_alloc : memref<!tpu.dma_semaphore, #tpu.memory_space<semaphore_mem>>
        %dma_start3A_159 = arith.constant 0 : i32
        %dma_start3A_160 = arith.constant 0 : i32
        %dma_start3A_161 = tpu.memref_slice %arg4[%add3A, %scan3A_90, %dma_start3A_159, %dma_start3A_160] : memref<32x25x5x80xi32, #tpu.memory_space<hbm>> -> memref<1x1x5x80xi32, #tpu.memory_space<hbm>>
        %dma_start3A_162 = tpu.memref_squeeze %dma_start3A_161 : memref<1x1x5x80xi32, #tpu.memory_space<hbm>> -> memref<5x80xi32, #tpu.memory_space<hbm>>
        %dma_start3A_163 = arith.constant 0 : i32
        %dma_start3A_164 = arith.constant 0 : i32
        %dma_start3A_165 = tpu.memref_slice %arg4[%add3A, %scan3A_90, %dma_start3A_163, %dma_start3A_164] : memref<32x25x5x80xi32, #tpu.memory_space<hbm>> -> memref<1x1x5x80xi32, #tpu.memory_space<hbm>>
        %dma_start3A_166 = tpu.memref_squeeze %dma_start3A_165 : memref<1x1x5x80xi32, #tpu.memory_space<hbm>> -> memref<5x80xi32, #tpu.memory_space<hbm>>
        tpu.enqueue_dma source(%dma_start3A_166 : memref<5x80xi32, #tpu.memory_space<hbm>>) target(%arg12 : memref<5x80xi32, #tpu.memory_space<vmem>>) target_semaphore(%run_scoped3A_158 : memref<!tpu.dma_semaphore, #tpu.memory_space<semaphore_mem>>)
        %dma_wait3A_167 = arith.constant 0 : i32
        %dma_wait3A_168 = arith.constant 0 : i32
        %dma_wait3A_169 = tpu.memref_slice %arg4[%add3A, %scan3A_90, %dma_wait3A_167, %dma_wait3A_168] : memref<32x25x5x80xi32, #tpu.memory_space<hbm>> -> memref<1x1x5x80xi32, #tpu.memory_space<hbm>>
        %dma_wait3A_170 = tpu.memref_squeeze %dma_wait3A_169 : memref<1x1x5x80xi32, #tpu.memory_space<hbm>> -> memref<5x80xi32, #tpu.memory_space<hbm>>
        %dma_wait3A_171 = arith.constant 0 : i32
        %dma_wait3A_172 = arith.constant 0 : i32
        %dma_wait3A_173 = tpu.memref_slice %arg4[%add3A, %scan3A_90, %dma_wait3A_171, %dma_wait3A_172] : memref<32x25x5x80xi32, #tpu.memory_space<hbm>> -> memref<1x1x5x80xi32, #tpu.memory_space<hbm>>
        %dma_wait3A_174 = tpu.memref_squeeze %dma_wait3A_173 : memref<1x1x5x80xi32, #tpu.memory_space<hbm>> -> memref<5x80xi32, #tpu.memory_space<hbm>>
        tpu.wait_dma2 semaphore(%run_scoped3A_158 : memref<!tpu.dma_semaphore, #tpu.memory_space<semaphore_mem>>) src(%dma_wait3A_174 : memref<5x80xi32, #tpu.memory_space<hbm>>) dst(%arg12 : memref<5x80xi32, #tpu.memory_space<vmem>>)
        tpu.yield
      }) : () -> ()
      %dma_start3A_92 = arith.constant 0 : i32
      %dma_start3A_93 = arith.constant 0 : i32
      %dma_start3A_94 = tpu.memref_slice %arg12[%dma_start3A_92, %dma_start3A_93] : memref<5x80xi32, #tpu.memory_space<vmem>> -> memref<1x80xi32, #tpu.memory_space<vmem>>
      %dma_start3A_95 = tpu.memref_squeeze %dma_start3A_94 : memref<1x80xi32, #tpu.memory_space<vmem>> -> memref<80xi32, #tpu.memory_space<vmem>>
      %dma_start3A_96 = arith.constant 0 : i32
      %dma_start3A_97 = arith.constant 0 : i32
      %dma_start3A_98 = tpu.memref_slice %arg17[%dma_start3A_96, %dma_start3A_97] : memref<10240x128xf32, #tpu.memory_space<vmem_shared>> -> memref<10240x128xf32, #tpu.memory_space<vmem_shared>>
      tpu.enqueue_indirect_dma source(%arg13 : memref<80x128xf32, #tpu.memory_space<vmem>>) target(%dma_start3A_98 : memref<10240x128xf32, #tpu.memory_space<vmem_shared>>) offsets(%dma_start3A_95 : memref<80xi32, #tpu.memory_space<vmem>>) semaphore(%arg19 : memref<!tpu.dma_semaphore, #tpu.memory_space<semaphore_mem>>) {add = true}
      %dma_start3A_99 = arith.constant 1 : i32
      %dma_start3A_100 = arith.constant 0 : i32
      %dma_start3A_101 = tpu.memref_slice %arg12[%dma_start3A_99, %dma_start3A_100] : memref<5x80xi32, #tpu.memory_space<vmem>> -> memref<1x80xi32, #tpu.memory_space<vmem>>
      %dma_start3A_102 = tpu.memref_squeeze %dma_start3A_101 : memref<1x80xi32, #tpu.memory_space<vmem>> -> memref<80xi32, #tpu.memory_space<vmem>>
      %dma_start3A_103 = arith.constant 0 : i32
      %dma_start3A_104 = arith.constant 0 : i32
      %dma_start3A_105 = tpu.memref_slice %arg17[%dma_start3A_103, %dma_start3A_104] : memref<10240x128xf32, #tpu.memory_space<vmem_shared>> -> memref<10240x128xf32, #tpu.memory_space<vmem_shared>>
      tpu.enqueue_indirect_dma source(%arg13 : memref<80x128xf32, #tpu.memory_space<vmem>>) target(%dma_start3A_105 : memref<10240x128xf32, #tpu.memory_space<vmem_shared>>) offsets(%dma_start3A_102 : memref<80xi32, #tpu.memory_space<vmem>>) semaphore(%arg19 : memref<!tpu.dma_semaphore, #tpu.memory_space<semaphore_mem>>) {add = true}
      %dma_start3A_106 = arith.constant 2 : i32
      %dma_start3A_107 = arith.constant 0 : i32
      %dma_start3A_108 = tpu.memref_slice %arg12[%dma_start3A_106, %dma_start3A_107] : memref<5x80xi32, #tpu.memory_space<vmem>> -> memref<1x80xi32, #tpu.memory_space<vmem>>
      %dma_start3A_109 = tpu.memref_squeeze %dma_start3A_108 : memref<1x80xi32, #tpu.memory_space<vmem>> -> memref<80xi32, #tpu.memory_space<vmem>>
      %dma_start3A_110 = arith.constant 0 : i32
      %dma_start3A_111 = arith.constant 0 : i32
      %dma_start3A_112 = tpu.memref_slice %arg17[%dma_start3A_110, %dma_start3A_111] : memref<10240x128xf32, #tpu.memory_space<vmem_shared>> -> memref<10240x128xf32, #tpu.memory_space<vmem_shared>>
      tpu.enqueue_indirect_dma source(%arg13 : memref<80x128xf32, #tpu.memory_space<vmem>>) target(%dma_start3A_112 : memref<10240x128xf32, #tpu.memory_space<vmem_shared>>) offsets(%dma_start3A_109 : memref<80xi32, #tpu.memory_space<vmem>>) semaphore(%arg19 : memref<!tpu.dma_semaphore, #tpu.memory_space<semaphore_mem>>) {add = true}
      %dma_start3A_113 = arith.constant 3 : i32
      %dma_start3A_114 = arith.constant 0 : i32
      %dma_start3A_115 = tpu.memref_slice %arg12[%dma_start3A_113, %dma_start3A_114] : memref<5x80xi32, #tpu.memory_space<vmem>> -> memref<1x80xi32, #tpu.memory_space<vmem>>
      %dma_start3A_116 = tpu.memref_squeeze %dma_start3A_115 : memref<1x80xi32, #tpu.memory_space<vmem>> -> memref<80xi32, #tpu.memory_space<vmem>>
      %dma_start3A_117 = arith.constant 0 : i32
      %dma_start3A_118 = arith.constant 0 : i32
      %dma_start3A_119 = tpu.memref_slice %arg17[%dma_start3A_117, %dma_start3A_118] : memref<10240x128xf32, #tpu.memory_space<vmem_shared>> -> memref<10240x128xf32, #tpu.memory_space<vmem_shared>>
      tpu.enqueue_indirect_dma source(%arg13 : memref<80x128xf32, #tpu.memory_space<vmem>>) target(%dma_start3A_119 : memref<10240x128xf32, #tpu.memory_space<vmem_shared>>) offsets(%dma_start3A_116 : memref<80xi32, #tpu.memory_space<vmem>>) semaphore(%arg19 : memref<!tpu.dma_semaphore, #tpu.memory_space<semaphore_mem>>) {add = true}
      %dma_start3A_120 = arith.constant 4 : i32
      %dma_start3A_121 = arith.constant 0 : i32
      %dma_start3A_122 = tpu.memref_slice %arg12[%dma_start3A_120, %dma_start3A_121] : memref<5x80xi32, #tpu.memory_space<vmem>> -> memref<1x80xi32, #tpu.memory_space<vmem>>
      %dma_start3A_123 = tpu.memref_squeeze %dma_start3A_122 : memref<1x80xi32, #tpu.memory_space<vmem>> -> memref<80xi32, #tpu.memory_space<vmem>>
      %dma_start3A_124 = arith.constant 0 : i32
      %dma_start3A_125 = arith.constant 0 : i32
      %dma_start3A_126 = tpu.memref_slice %arg17[%dma_start3A_124, %dma_start3A_125] : memref<10240x128xf32, #tpu.memory_space<vmem_shared>> -> memref<10240x128xf32, #tpu.memory_space<vmem_shared>>
      tpu.enqueue_indirect_dma source(%arg13 : memref<80x128xf32, #tpu.memory_space<vmem>>) target(%dma_start3A_126 : memref<10240x128xf32, #tpu.memory_space<vmem_shared>>) offsets(%dma_start3A_123 : memref<80xi32, #tpu.memory_space<vmem>>) semaphore(%arg19 : memref<!tpu.dma_semaphore, #tpu.memory_space<semaphore_mem>>) {add = true}
      %dma_wait3A_127 = arith.constant 0 : i32
      %dma_wait3A_128 = arith.constant 0 : i32
      %dma_wait3A_129 = tpu.memref_slice %arg5[%dma_wait3A_127, %dma_wait3A_128] : memref<320000x128xf32, #tpu.memory_space<hbm>> -> memref<80x128xf32, #tpu.memory_space<hbm>>
      %dma_wait3A_130 = arith.constant 0 : i32
      %dma_wait3A_131 = arith.constant 0 : i32
      %dma_wait3A_132 = tpu.memref_slice %arg5[%dma_wait3A_130, %dma_wait3A_131] : memref<320000x128xf32, #tpu.memory_space<hbm>> -> memref<80x128xf32, #tpu.memory_space<hbm>>
      tpu.wait_dma2 semaphore(%arg19 : memref<!tpu.dma_semaphore, #tpu.memory_space<semaphore_mem>>) src(%dma_wait3A_132 : memref<80x128xf32, #tpu.memory_space<hbm>>) dst(%arg13 : memref<80x128xf32, #tpu.memory_space<vmem>>)
      %dma_wait3A_133 = arith.constant 0 : i32
      %dma_wait3A_134 = arith.constant 0 : i32
      %dma_wait3A_135 = tpu.memref_slice %arg5[%dma_wait3A_133, %dma_wait3A_134] : memref<320000x128xf32, #tpu.memory_space<hbm>> -> memref<80x128xf32, #tpu.memory_space<hbm>>
      %dma_wait3A_136 = arith.constant 0 : i32
      %dma_wait3A_137 = arith.constant 0 : i32
      %dma_wait3A_138 = tpu.memref_slice %arg5[%dma_wait3A_136, %dma_wait3A_137] : memref<320000x128xf32, #tpu.memory_space<hbm>> -> memref<80x128xf32, #tpu.memory_space<hbm>>
      tpu.wait_dma2 semaphore(%arg19 : memref<!tpu.dma_semaphore, #tpu.memory_space<semaphore_mem>>) src(%dma_wait3A_138 : memref<80x128xf32, #tpu.memory_space<hbm>>) dst(%arg13 : memref<80x128xf32, #tpu.memory_space<vmem>>)
      %dma_wait3A_139 = arith.constant 0 : i32
      %dma_wait3A_140 = arith.constant 0 : i32
      %dma_wait3A_141 = tpu.memref_slice %arg5[%dma_wait3A_139, %dma_wait3A_140] : memref<320000x128xf32, #tpu.memory_space<hbm>> -> memref<80x128xf32, #tpu.memory_space<hbm>>
      %dma_wait3A_142 = arith.constant 0 : i32
      %dma_wait3A_143 = arith.constant 0 : i32
      %dma_wait3A_144 = tpu.memref_slice %arg5[%dma_wait3A_142, %dma_wait3A_143] : memref<320000x128xf32, #tpu.memory_space<hbm>> -> memref<80x128xf32, #tpu.memory_space<hbm>>
      tpu.wait_dma2 semaphore(%arg19 : memref<!tpu.dma_semaphore, #tpu.memory_space<semaphore_mem>>) src(%dma_wait3A_144 : memref<80x128xf32, #tpu.memory_space<hbm>>) dst(%arg13 : memref<80x128xf32, #tpu.memory_space<vmem>>)
      %dma_wait3A_145 = arith.constant 0 : i32
      %dma_wait3A_146 = arith.constant 0 : i32
      %dma_wait3A_147 = tpu.memref_slice %arg5[%dma_wait3A_145, %dma_wait3A_146] : memref<320000x128xf32, #tpu.memory_space<hbm>> -> memref<80x128xf32, #tpu.memory_space<hbm>>
      %dma_wait3A_148 = arith.constant 0 : i32
      %dma_wait3A_149 = arith.constant 0 : i32
      %dma_wait3A_150 = tpu.memref_slice %arg5[%dma_wait3A_148, %dma_wait3A_149] : memref<320000x128xf32, #tpu.memory_space<hbm>> -> memref<80x128xf32, #tpu.memory_space<hbm>>
      tpu.wait_dma2 semaphore(%arg19 : memref<!tpu.dma_semaphore, #tpu.memory_space<semaphore_mem>>) src(%dma_wait3A_150 : memref<80x128xf32, #tpu.memory_space<hbm>>) dst(%arg13 : memref<80x128xf32, #tpu.memory_space<vmem>>)
      %dma_wait3A_151 = arith.constant 0 : i32
      %dma_wait3A_152 = arith.constant 0 : i32
      %dma_wait3A_153 = tpu.memref_slice %arg5[%dma_wait3A_151, %dma_wait3A_152] : memref<320000x128xf32, #tpu.memory_space<hbm>> -> memref<80x128xf32, #tpu.memory_space<hbm>>
      %dma_wait3A_154 = arith.constant 0 : i32
      %dma_wait3A_155 = arith.constant 0 : i32
      %dma_wait3A_156 = tpu.memref_slice %arg5[%dma_wait3A_154, %dma_wait3A_155] : memref<320000x128xf32, #tpu.memory_space<hbm>> -> memref<80x128xf32, #tpu.memory_space<hbm>>
      tpu.wait_dma2 semaphore(%arg19 : memref<!tpu.dma_semaphore, #tpu.memory_space<semaphore_mem>>) src(%dma_wait3A_156 : memref<80x128xf32, #tpu.memory_space<hbm>>) dst(%arg13 : memref<80x128xf32, #tpu.memory_space<vmem>>)
      %scan3A_157 = arith.constant 0 : i32
      scf.yield %scan3A_157 : i32
    }
    %scan3A_81 = arith.constant 25 : i32
    %barrier3A_82 = arith.constant 0 : index
    tpu.barrier barrier_id(%barrier3A_82)
    %scan3A_83 = arith.constant 0 : i32
    %scan3A_84 = arith.constant 0 : i32
    %scan3A_85 = arith.constant 8 : i32
    %scan3A_86 = arith.addi %scan3A_84, %scan3A_85 : i32
    %scan3A_87 = arith.constant 1 : i32
    %scan3A_88 = scf.for %scan3A_90 = %scan3A_84 to %scan3A_86 step %scan3A_87 iter_args(%scan3A_91 = %scan3A_83) -> (i32)  : i32 {
      %mul3A_92 = arith.constant 640 : i32
      %mul3A_93 = arith.muli %arg1, %mul3A_92 : i32
      %mul3A_94 = arith.constant 80 : i32
      %mul3A_95 = arith.muli %scan3A_90, %mul3A_94 : i32
      %add3A_96 = arith.addi %mul3A_93, %mul3A_95 : i32
      %run_scoped3A_97 = arith.constant 0 : i32
      "tpu.region"() ({
        %run_scoped3A_113 = tpu.sem_alloc : memref<!tpu.dma_semaphore, #tpu.memory_space<semaphore_mem>>
        %dma_start3A_114 = arith.constant 0 : i32
        %dma_start3A_115 = tpu.memref_slice %arg10[%run_scoped3A_97, %dma_start3A_114] : memref<2x80xi32, #tpu.memory_space<vmem>> -> memref<1x80xi32, #tpu.memory_space<vmem>>
        %dma_start3A_116 = tpu.memref_squeeze %dma_start3A_115 : memref<1x80xi32, #tpu.memory_space<vmem>> -> memref<80xi32, #tpu.memory_space<vmem>>
        %dma_start3A_117 = tpu.memref_slice %arg7[%add3A_96] : memref<10240xi32, #tpu.memory_space<hbm>> -> memref<80xi32, #tpu.memory_space<hbm>>
        %dma_start3A_118 = arith.constant 0 : i32
        %dma_start3A_119 = tpu.memref_slice %arg10[%run_scoped3A_97, %dma_start3A_118] : memref<2x80xi32, #tpu.memory_space<vmem>> -> memref<1x80xi32, #tpu.memory_space<vmem>>
        %dma_start3A_120 = tpu.memref_squeeze %dma_start3A_119 : memref<1x80xi32, #tpu.memory_space<vmem>> -> memref<80xi32, #tpu.memory_space<vmem>>
        %dma_start3A_121 = tpu.memref_slice %arg7[%add3A_96] : memref<10240xi32, #tpu.memory_space<hbm>> -> memref<80xi32, #tpu.memory_space<hbm>>
        tpu.enqueue_dma source(%dma_start3A_121 : memref<80xi32, #tpu.memory_space<hbm>>) target(%dma_start3A_120 : memref<80xi32, #tpu.memory_space<vmem>>) target_semaphore(%run_scoped3A_113 : memref<!tpu.dma_semaphore, #tpu.memory_space<semaphore_mem>>)
        %dma_wait3A_122 = arith.constant 0 : i32
        %dma_wait3A_123 = tpu.memref_slice %arg10[%run_scoped3A_97, %dma_wait3A_122] : memref<2x80xi32, #tpu.memory_space<vmem>> -> memref<1x80xi32, #tpu.memory_space<vmem>>
        %dma_wait3A_124 = tpu.memref_squeeze %dma_wait3A_123 : memref<1x80xi32, #tpu.memory_space<vmem>> -> memref<80xi32, #tpu.memory_space<vmem>>
        %dma_wait3A_125 = tpu.memref_slice %arg7[%add3A_96] : memref<10240xi32, #tpu.memory_space<hbm>> -> memref<80xi32, #tpu.memory_space<hbm>>
        %dma_wait3A_126 = arith.constant 0 : i32
        %dma_wait3A_127 = tpu.memref_slice %arg10[%run_scoped3A_97, %dma_wait3A_126] : memref<2x80xi32, #tpu.memory_space<vmem>> -> memref<1x80xi32, #tpu.memory_space<vmem>>
        %dma_wait3A_128 = tpu.memref_squeeze %dma_wait3A_127 : memref<1x80xi32, #tpu.memory_space<vmem>> -> memref<80xi32, #tpu.memory_space<vmem>>
        %dma_wait3A_129 = tpu.memref_slice %arg7[%add3A_96] : memref<10240xi32, #tpu.memory_space<hbm>> -> memref<80xi32, #tpu.memory_space<hbm>>
        tpu.wait_dma2 semaphore(%run_scoped3A_113 : memref<!tpu.dma_semaphore, #tpu.memory_space<semaphore_mem>>) src(%dma_wait3A_129 : memref<80xi32, #tpu.memory_space<hbm>>) dst(%dma_wait3A_128 : memref<80xi32, #tpu.memory_space<vmem>>)
        tpu.yield
      }) : () -> ()
      %dma_start3A_98 = arith.constant 0 : i32
      %dma_start3A_99 = arith.constant 0 : i32
      %dma_start3A_100 = tpu.memref_slice %arg10[%dma_start3A_98, %dma_start3A_99] : memref<2x80xi32, #tpu.memory_space<vmem>> -> memref<1x80xi32, #tpu.memory_space<vmem>>
      %dma_start3A_101 = tpu.memref_squeeze %dma_start3A_100 : memref<1x80xi32, #tpu.memory_space<vmem>> -> memref<80xi32, #tpu.memory_space<vmem>>
      %dma_start3A_102 = arith.constant 0 : i32
      %dma_start3A_103 = arith.constant 0 : i32
      %dma_start3A_104 = tpu.memref_slice %arg17[%dma_start3A_102, %dma_start3A_103] : memref<10240x128xf32, #tpu.memory_space<vmem_shared>> -> memref<10240x128xf32, #tpu.memory_space<vmem_shared>>
      tpu.enqueue_indirect_dma source(%dma_start3A_104 : memref<10240x128xf32, #tpu.memory_space<vmem_shared>>) target(%arg13 : memref<80x128xf32, #tpu.memory_space<vmem>>) offsets(%dma_start3A_101 : memref<80xi32, #tpu.memory_space<vmem>>) semaphore(%arg18 : memref<!tpu.dma_semaphore, #tpu.memory_space<semaphore_mem>>)
      %dma_wait3A_105 = arith.constant 0 : i32
      %dma_wait3A_106 = arith.constant 0 : i32
      %dma_wait3A_107 = tpu.memref_slice %arg10[%dma_wait3A_105, %dma_wait3A_106] : memref<2x80xi32, #tpu.memory_space<vmem>> -> memref<1x80xi32, #tpu.memory_space<vmem>>
      %dma_wait3A_108 = tpu.memref_squeeze %dma_wait3A_107 : memref<1x80xi32, #tpu.memory_space<vmem>> -> memref<80xi32, #tpu.memory_space<vmem>>
      %dma_wait3A_109 = arith.constant 0 : i32
      %dma_wait3A_110 = arith.constant 0 : i32
      %dma_wait3A_111 = tpu.memref_slice %arg17[%dma_wait3A_109, %dma_wait3A_110] : memref<10240x128xf32, #tpu.memory_space<vmem_shared>> -> memref<10240x128xf32, #tpu.memory_space<vmem_shared>>
      tpu.wait_indirect_dma semaphore(%arg18 : memref<!tpu.dma_semaphore, #tpu.memory_space<semaphore_mem>>) src(%dma_wait3A_111 : memref<10240x128xf32, #tpu.memory_space<vmem_shared>>) dst(%arg13 : memref<80x128xf32, #tpu.memory_space<vmem>>)
      "tpu.region"() ({
        %run_scoped3A_113 = tpu.sem_alloc : memref<!tpu.dma_semaphore, #tpu.memory_space<semaphore_mem>>
        %dma_start3A_114 = arith.constant 0 : i32
        %dma_start3A_115 = tpu.memref_slice %arg9[%arg0, %add3A_96, %dma_start3A_114] : memref<2x10240x128xf32, #tpu.memory_space<hbm>> -> memref<1x80x128xf32, #tpu.memory_space<hbm>>
        %dma_start3A_116 = tpu.memref_squeeze %dma_start3A_115 : memref<1x80x128xf32, #tpu.memory_space<hbm>> -> memref<80x128xf32, #tpu.memory_space<hbm>>
        %dma_start3A_117 = arith.constant 0 : i32
        %dma_start3A_118 = tpu.memref_slice %arg9[%arg0, %add3A_96, %dma_start3A_117] : memref<2x10240x128xf32, #tpu.memory_space<hbm>> -> memref<1x80x128xf32, #tpu.memory_space<hbm>>
        %dma_start3A_119 = tpu.memref_squeeze %dma_start3A_118 : memref<1x80x128xf32, #tpu.memory_space<hbm>> -> memref<80x128xf32, #tpu.memory_space<hbm>>
        tpu.enqueue_dma source(%arg13 : memref<80x128xf32, #tpu.memory_space<vmem>>) target(%dma_start3A_119 : memref<80x128xf32, #tpu.memory_space<hbm>>) target_semaphore(%run_scoped3A_113 : memref<!tpu.dma_semaphore, #tpu.memory_space<semaphore_mem>>)
        %dma_wait3A_120 = arith.constant 0 : i32
        %dma_wait3A_121 = tpu.memref_slice %arg9[%arg0, %add3A_96, %dma_wait3A_120] : memref<2x10240x128xf32, #tpu.memory_space<hbm>> -> memref<1x80x128xf32, #tpu.memory_space<hbm>>
        %dma_wait3A_122 = tpu.memref_squeeze %dma_wait3A_121 : memref<1x80x128xf32, #tpu.memory_space<hbm>> -> memref<80x128xf32, #tpu.memory_space<hbm>>
        %dma_wait3A_123 = arith.constant 0 : i32
        %dma_wait3A_124 = tpu.memref_slice %arg9[%arg0, %add3A_96, %dma_wait3A_123] : memref<2x10240x128xf32, #tpu.memory_space<hbm>> -> memref<1x80x128xf32, #tpu.memory_space<hbm>>
        %dma_wait3A_125 = tpu.memref_squeeze %dma_wait3A_124 : memref<1x80x128xf32, #tpu.memory_space<hbm>> -> memref<80x128xf32, #tpu.memory_space<hbm>>
        tpu.wait_dma2 semaphore(%run_scoped3A_113 : memref<!tpu.dma_semaphore, #tpu.memory_space<semaphore_mem>>) src(%arg13 : memref<80x128xf32, #tpu.memory_space<vmem>>) dst(%dma_wait3A_125 : memref<80x128xf32, #tpu.memory_space<hbm>>)
        tpu.yield
      }) : () -> ()
      %scan3A_112 = arith.constant 0 : i32
      scf.yield %scan3A_112 : i32
    }
    %scan3A_89 = arith.constant 8 : i32
    return
  }
}

module attributes {stable_mosaic.version = 14 : i64} {
  func.func @_edge_weight_body(%arg0: i32, %arg1: memref<6400x16xf32, #tpu.memory_space<vmem>>, %arg2: memref<6400x1xf32, #tpu.memory_space<vmem>>, %arg3: memref<16x64xf32, #tpu.memory_space<vmem>>, %arg4: memref<64x128xf32, #tpu.memory_space<vmem>>, %arg5: memref<6400x128xf32, #tpu.memory_space<vmem>>) attributes {dimension_semantics = [#tpu.dimension_semantics<arbitrary>], iteration_bounds = array<i64: 50>, scalar_prefetch = 0 : i64, scratch_operands = 0 : i64, tpu.core_type = #tpu.core_type<tc>, window_params = [{transform_indices = @transform_0, window_bounds = array<i64: 6400, 16>}, {transform_indices = @transform_1, window_bounds = array<i64: 6400, 1>}, {pipeline_mode = #tpu.pipeline_mode<synchronous>, transform_indices = @transform_2, window_bounds = array<i64: 16, 64>}, {pipeline_mode = #tpu.pipeline_mode<synchronous>, transform_indices = @transform_3, window_bounds = array<i64: 64, 128>}, {transform_indices = @transform_4, window_bounds = array<i64: 6400, 128>}]} {
    %get3A = arith.constant 0 : index
    %get3A_0 = arith.constant 0 : index
    %get3A_1 = vector.load %arg1[%get3A, %get3A_0] : memref<6400x16xf32, #tpu.memory_space<vmem>>, vector<6400x16xf32>
    %get3A_2 = arith.constant 0 : index
    %get3A_3 = arith.constant 0 : index
    %get3A_4 = vector.load %arg3[%get3A_2, %get3A_3] : memref<16x64xf32, #tpu.memory_space<vmem>>, vector<16x64xf32>
    %dot_general3A = arith.constant dense<0.000000e+00> : vector<6400x64xf32>
    %dot_general3A_5 = tpu.matmul %get3A_1, %get3A_4, %dot_general3A {dimension_numbers = #tpu.dot_dimension_numbers<[1], [0], [0], [1], [0, 0, 1, 1], [], []>, transpose_lhs_hint = false} : vector<6400x16xf32>, vector<16x64xf32>, vector<6400x64xf32> -> vector<6400x64xf32>
    %mul3A = arith.constant 2.500000e-01 : f32
    %mul3A_6 = vector.broadcast %mul3A : f32 to vector<6400x64xf32>
    %mul3A_7 = arith.mulf %dot_general3A_5, %mul3A_6 : vector<6400x64xf32>
    %logistic3A = arith.negf %mul3A_7 : vector<6400x64xf32>
    %logistic3A_8 = math.exp %logistic3A : vector<6400x64xf32>
    %logistic3A_9 = arith.constant 1.000000e+00 : f32
    %logistic3A_10 = vector.broadcast %logistic3A_9 : f32 to vector<6400x64xf32>
    %logistic3A_11 = arith.addf %logistic3A_10, %logistic3A_8 : vector<6400x64xf32>
    %logistic3A_12 = arith.divf %logistic3A_10, %logistic3A_11 : vector<6400x64xf32>
    %mul3A_13 = arith.mulf %mul3A_7, %logistic3A_12 : vector<6400x64xf32>
    %get3A_14 = arith.constant 0 : index
    %get3A_15 = arith.constant 0 : index
    %get3A_16 = vector.load %arg4[%get3A_14, %get3A_15] : memref<64x128xf32, #tpu.memory_space<vmem>>, vector<64x128xf32>
    %dot_general3A_17 = arith.constant dense<0.000000e+00> : vector<6400x128xf32>
    %dot_general3A_18 = tpu.matmul %mul3A_13, %get3A_16, %dot_general3A_17 {dimension_numbers = #tpu.dot_dimension_numbers<[1], [0], [0], [1], [0, 0, 1, 1], [], []>, transpose_lhs_hint = false} : vector<6400x64xf32>, vector<64x128xf32>, vector<6400x128xf32> -> vector<6400x128xf32>
    %mul3A_19 = arith.constant 1.250000e-01 : f32
    %mul3A_20 = vector.broadcast %mul3A_19 : f32 to vector<6400x128xf32>
    %mul3A_21 = arith.mulf %dot_general3A_18, %mul3A_20 : vector<6400x128xf32>
    %get3A_22 = arith.constant 0 : index
    %get3A_23 = arith.constant 0 : index
    %get3A_24 = vector.load %arg2[%get3A_22, %get3A_23] : memref<6400x1xf32, #tpu.memory_space<vmem>>, vector<6400x1xf32>
    %mul3A_25 = vector.broadcast %get3A_24 : vector<6400x1xf32> to vector<6400x128xf32>
    %mul3A_26 = arith.mulf %mul3A_21, %mul3A_25 : vector<6400x128xf32>
    %swap3A = arith.constant 0 : index
    %swap3A_27 = arith.constant 0 : index
    %swap3A_28 = vector.load %arg5[%swap3A, %swap3A_27] : memref<6400x128xf32, #tpu.memory_space<vmem>>, vector<6400x128xf32>
    tpu.vector_store %arg5[%swap3A, %swap3A_27], %mul3A_26 {strides = array<i32>} : memref<6400x128xf32, #tpu.memory_space<vmem>>, vector<6400x128xf32>,
    return
  }
  func.func @transform_0(%arg0: i32) -> (i32, i32) {
    %c0_i32 = arith.constant 0 : i32
    %c0_i32_0 = arith.constant 0 : i32
    return %arg0, %c0_i32 : i32, i32
  }
  func.func @transform_1(%arg0: i32) -> (i32, i32) {
    %c0_i32 = arith.constant 0 : i32
    %c0_i32_0 = arith.constant 0 : i32
    return %arg0, %c0_i32 : i32, i32
  }
  func.func @transform_2(%arg0: i32) -> (i32, i32) {
    %c0_i32 = arith.constant 0 : i32
    %c0_i32_0 = arith.constant 0 : i32
    %c0_i32_1 = arith.constant 0 : i32
    return %c0_i32, %c0_i32_0 : i32, i32
  }
  func.func @transform_3(%arg0: i32) -> (i32, i32) {
    %c0_i32 = arith.constant 0 : i32
    %c0_i32_0 = arith.constant 0 : i32
    %c0_i32_1 = arith.constant 0 : i32
    return %c0_i32, %c0_i32_0 : i32, i32
  }
  func.func @transform_4(%arg0: i32) -> (i32, i32) {
    %c0_i32 = arith.constant 0 : i32
    %c0_i32_0 = arith.constant 0 : i32
    return %arg0, %c0_i32 : i32, i32
  }
}

module attributes {stable_mosaic.version = 14 : i64} {
  func.func @_finish_body(%arg0: i32, %arg1: memref<2x2000x128xf32, #tpu.memory_space<vmem>>, %arg2: memref<2x2000x128xf32, #tpu.memory_space<vmem>>, %arg3: memref<2000x128xf32, #tpu.memory_space<vmem>>, %arg4: memref<128x128xf32, #tpu.memory_space<vmem>>, %arg5: memref<128x128xf32, #tpu.memory_space<vmem>>, %arg6: memref<1x128xf32, #tpu.memory_space<vmem>>, %arg7: memref<2000x128xf32, #tpu.memory_space<vmem>>) attributes {dimension_semantics = [#tpu.dimension_semantics<arbitrary>], iteration_bounds = array<i64: 5>, scalar_prefetch = 0 : i64, scratch_operands = 0 : i64, tpu.core_type = #tpu.core_type<tc>, window_params = [{transform_indices = @transform_0, window_bounds = array<i64: 2, 2000, 128>}, {transform_indices = @transform_1, window_bounds = array<i64: 2, 2000, 128>}, {transform_indices = @transform_2, window_bounds = array<i64: 2000, 128>}, {pipeline_mode = #tpu.pipeline_mode<synchronous>, transform_indices = @transform_3, window_bounds = array<i64: 128, 128>}, {pipeline_mode = #tpu.pipeline_mode<synchronous>, transform_indices = @transform_4, window_bounds = array<i64: 128, 128>}, {pipeline_mode = #tpu.pipeline_mode<synchronous>, transform_indices = @transform_5, window_bounds = array<i64: 1, 128>}, {transform_indices = @transform_6, window_bounds = array<i64: 2000, 128>}]} {
    %get3A = arith.constant 0 : index
    %get3A_0 = arith.constant 0 : index
    %get3A_1 = arith.constant 0 : index
    %get3A_2 = vector.load %arg1[%get3A, %get3A_0, %get3A_1] : memref<2x2000x128xf32, #tpu.memory_space<vmem>>, vector<1x2000x128xf32>
    %get3A_3 = vector.shape_cast %get3A_2 : vector<1x2000x128xf32> to vector<2000x128xf32>
    %get3A_4 = arith.constant 1 : index
    %get3A_5 = arith.constant 0 : index
    %get3A_6 = arith.constant 0 : index
    %get3A_7 = vector.load %arg1[%get3A_4, %get3A_5, %get3A_6] : memref<2x2000x128xf32, #tpu.memory_space<vmem>>, vector<1x2000x128xf32>
    %get3A_8 = vector.shape_cast %get3A_7 : vector<1x2000x128xf32> to vector<2000x128xf32>
    %add3A = arith.addf %get3A_3, %get3A_8 : vector<2000x128xf32>
    %get3A_9 = arith.constant 0 : index
    %get3A_10 = arith.constant 0 : index
    %get3A_11 = arith.constant 0 : index
    %get3A_12 = vector.load %arg2[%get3A_9, %get3A_10, %get3A_11] : memref<2x2000x128xf32, #tpu.memory_space<vmem>>, vector<1x2000x1xf32>
    %get3A_13 = vector.shape_cast %get3A_12 : vector<1x2000x1xf32> to vector<2000x1xf32>
    %get3A_14 = arith.constant 1 : index
    %get3A_15 = arith.constant 0 : index
    %get3A_16 = arith.constant 0 : index
    %get3A_17 = vector.load %arg2[%get3A_14, %get3A_15, %get3A_16] : memref<2x2000x128xf32, #tpu.memory_space<vmem>>, vector<1x2000x1xf32>
    %get3A_18 = vector.shape_cast %get3A_17 : vector<1x2000x1xf32> to vector<2000x1xf32>
    %add3A_19 = arith.addf %get3A_13, %get3A_18 : vector<2000x1xf32>
    %max3A = arith.constant 1.000000e+00 : f32
    %max3A_20 = vector.broadcast %max3A : f32 to vector<2000x1xf32>
    %max3A_21 = arith.maximumf %add3A_19, %max3A_20 : vector<2000x1xf32>
    %div3A = vector.broadcast %max3A_21 : vector<2000x1xf32> to vector<2000x128xf32>
    %div3A_22 = arith.divf %add3A, %div3A : vector<2000x128xf32>
    %get3A_23 = arith.constant 0 : index
    %get3A_24 = arith.constant 0 : index
    %get3A_25 = vector.load %arg3[%get3A_23, %get3A_24] : memref<2000x128xf32, #tpu.memory_space<vmem>>, vector<2000x128xf32>
    %get3A_26 = arith.constant 0 : index
    %get3A_27 = arith.constant 0 : index
    %get3A_28 = vector.load %arg4[%get3A_26, %get3A_27] : memref<128x128xf32, #tpu.memory_space<vmem>>, vector<128x128xf32>
    %dot_general3A = arith.constant dense<0.000000e+00> : vector<2000x128xf32>
    %dot_general3A_29 = tpu.matmul %get3A_25, %get3A_28, %dot_general3A {dimension_numbers = #tpu.dot_dimension_numbers<[1], [0], [0], [1], [0, 0, 1, 1], [], []>, transpose_lhs_hint = false} : vector<2000x128xf32>, vector<128x128xf32>, vector<2000x128xf32> -> vector<2000x128xf32>
    %get3A_30 = arith.constant 0 : index
    %get3A_31 = arith.constant 0 : index
    %get3A_32 = vector.load %arg5[%get3A_30, %get3A_31] : memref<128x128xf32, #tpu.memory_space<vmem>>, vector<128x128xf32>
    %dot_general3A_33 = arith.constant dense<0.000000e+00> : vector<2000x128xf32>
    %dot_general3A_34 = tpu.matmul %div3A_22, %get3A_32, %dot_general3A_33 {dimension_numbers = #tpu.dot_dimension_numbers<[1], [0], [0], [1], [0, 0, 1, 1], [], []>, transpose_lhs_hint = false} : vector<2000x128xf32>, vector<128x128xf32>, vector<2000x128xf32> -> vector<2000x128xf32>
    %get3A_35 = arith.constant 0 : index
    %get3A_36 = arith.constant 0 : index
    %get3A_37 = vector.load %arg6[%get3A_35, %get3A_36] : memref<1x128xf32, #tpu.memory_space<vmem>>, vector<1x128xf32>
    %mul3A = vector.broadcast %get3A_37 : vector<1x128xf32> to vector<2000x128xf32>
    %mul3A_38 = arith.mulf %div3A_22, %mul3A : vector<2000x128xf32>
    %reduce_sum3A = arith.constant dense<0.000000e+00> : vector<2000xf32>
    %reduce_sum3A_39 = vector.multi_reduction <add>, %mul3A_38, %reduce_sum3A [1] : vector<2000x128xf32> to vector<2000xf32>
    %broadcast_in_dim3A = vector.shape_cast %reduce_sum3A_39 : vector<2000xf32> to vector<2000x1xf32>
    %mul3A_40 = arith.constant 0.0883883461 : f32
    %mul3A_41 = vector.broadcast %mul3A_40 : f32 to vector<2000x1xf32>
    %mul3A_42 = arith.mulf %broadcast_in_dim3A, %mul3A_41 : vector<2000x1xf32>
    %mul3A_43 = vector.broadcast %mul3A_42 : vector<2000x1xf32> to vector<2000x128xf32>
    %mul3A_44 = arith.mulf %mul3A_43, %dot_general3A_34 : vector<2000x128xf32>
    %add3A_45 = arith.addf %dot_general3A_29, %mul3A_44 : vector<2000x128xf32>
    %mul3A_46 = arith.constant 0.0883883461 : f32
    %mul3A_47 = vector.broadcast %mul3A_46 : f32 to vector<2000x128xf32>
    %mul3A_48 = arith.mulf %add3A_45, %mul3A_47 : vector<2000x128xf32>
    %swap3A = arith.constant 0 : index
    %swap3A_49 = arith.constant 0 : index
    %swap3A_50 = vector.load %arg7[%swap3A, %swap3A_49] : memref<2000x128xf32, #tpu.memory_space<vmem>>, vector<2000x128xf32>
    tpu.vector_store %arg7[%swap3A, %swap3A_49], %mul3A_48 {strides = array<i32>} : memref<2000x128xf32, #tpu.memory_space<vmem>>, vector<2000x128xf32>,
    return
  }
  func.func @transform_0(%arg0: i32) -> (i32, i32, i32) {
    %c0_i32 = arith.constant 0 : i32
    %c0_i32_0 = arith.constant 0 : i32
    %c0_i32_1 = arith.constant 0 : i32
    return %c0_i32, %arg0, %c0_i32_0 : i32, i32, i32
  }
  func.func @transform_1(%arg0: i32) -> (i32, i32, i32) {
    %c0_i32 = arith.constant 0 : i32
    %c0_i32_0 = arith.constant 0 : i32
    %c0_i32_1 = arith.constant 0 : i32
    return %c0_i32, %arg0, %c0_i32_0 : i32, i32, i32
  }
  func.func @transform_2(%arg0: i32) -> (i32, i32) {
    %c0_i32 = arith.constant 0 : i32
    %c0_i32_0 = arith.constant 0 : i32
    return %arg0, %c0_i32 : i32, i32
  }
  func.func @transform_3(%arg0: i32) -> (i32, i32) {
    %c0_i32 = arith.constant 0 : i32
    %c0_i32_0 = arith.constant 0 : i32
    %c0_i32_1 = arith.constant 0 : i32
    return %c0_i32, %c0_i32_0 : i32, i32
  }
  func.func @transform_4(%arg0: i32) -> (i32, i32) {
    %c0_i32 = arith.constant 0 : i32
    %c0_i32_0 = arith.constant 0 : i32
    %c0_i32_1 = arith.constant 0 : i32
    return %c0_i32, %c0_i32_0 : i32, i32
  }
  func.func @transform_5(%arg0: i32) -> (i32, i32) {
    %c0_i32 = arith.constant 0 : i32
    %c0_i32_0 = arith.constant 0 : i32
    %c0_i32_1 = arith.constant 0 : i32
    return %c0_i32, %c0_i32_0 : i32, i32
  }
  func.func @transform_6(%arg0: i32) -> (i32, i32) {
    %c0_i32 = arith.constant 0 : i32
    %c0_i32_0 = arith.constant 0 : i32
    return %arg0, %c0_i32 : i32, i32
  }
}

</mosaic_0001>

<sc_bundles>
// kernel: kernel.5.cloned.1.call-start
scs
__scs_entry_jumppad:
0x0: {  	(pc) =	sbr.rel $0x88, $3  }
0x1: {  	(tag) =	ssettag $0x0;
	lr =	simm.s32 $0x1  }
0x2: {  	[smem:$0x3F98] =	sst lr;
	_ =	strace $0xD0000000  }
0x3: {  	_ = 	snop  }
0x4: {  	_ = 	snop  }
0x5: {  	_ = 	snop  }
0x6: {  	_ = 	snop  }
0x7: {  	_ = 	snop  }
__scs_overlays_trampoline_lowered:
0x8: {  	[smem:$0x3FA7] =	sst s0  }
0x9: {  	[smem:$0x3FA8] =	sst s1  }
0xa: {  	[smem:$0x3FA9] =	sst s2  }
0xb: {  	[smem:$0x3FAA] =	sst s3  }
0xc: {  	[smem:$0x3FAB] =	sst s4  }
0xd: {  	[smem:$0x3FAC] =	sst s5  }
0xe: {  	[smem:$0x3FAD] =	sst s6  }
0xf: {  	[smem:$0x3FAE] =	sst s7  }
0x10: {  	[smem:$0x3FAF] =	sst s8  }
0x11: {  	[smem:$0x3FB0] =	sst s9;
	s0 =	simm.s32 @!p0 $0x0  }
0x12: {  	s1 =	sld [smem:$0x3F96];
	s0 =	simm.s32 @p0 $0x1  }
0x13: {  	[smem:$0x3FB1] =	sst s0;
	s0 =	simm.s32 @!p1 $0x0  }
0x14: {  	s2 =	sld [smem:$0x3F95];
	s0 =	simm.s32 @p1 $0x1  }
0x15: {  	[smem:$0x3FB2] =	sst s0;
	s0 =	simm.s32 @!p2 $0x0  }
0x16: {  	s3 =	sld [smem:$0x3FDB];
	s0 =	simm.s32 @p2 $0x1  }
0x17: {  	s4 =	simm.s32 $0x1BF5;
	[smem:$0x3FB4] =	sst s0  }
0x18: {  	s0 =	sld [smem:$0x3F97];
	_ =	swait.ge [sflag:s4], $0x0  }
0x19: {  	s7 =	sld [smem:$0x3F98]  }
0x1a: {  	s8 =	sadd.s32 $0xFFFFE003, lr  }
0x1b: {  	s9 =	sadd.s32 $0xFFFFFEF7, lr;
	s5 =	simm.s32 $0xFFFFFFFF;
	p2 =	slt.u32 s8, $0xFFFFF086  }
0x1c: {  	p1 =	slt.u32 s9, $0xF7A;
	s5 =	simm.s32 @!p2 $0x0  }
0x1d: {  	s5 =	simm.s32 @p1 $0x1;
	p0 =	seq.s32 s7, s2  }
0x1e: {  	s7 =	smul.u32 @!p0 $0xF7A, s2;
	p2 =	seq.s32 @!p0 s5, $0x0  }
0x1f: {  	s9 =	smul.u32 $0xF7A, s1;
	s8 =	simm.s32 @!p0 $0x1BF5;
	p2 =	por !p2, p0  }
0x20: {  	[sflag:s8] =	ssyncset.s32 @!p0 $0xFFFFF086;
	s6 =	sadd.s32 @!p0 s3, s7;
	s7 =	simm.s32 @!p0 $0x108  }
0x21: {  	s3 =	sadd.s32 s3, s9;
	s6 =	sadd.s32 @!p0 $0x88, s6;
	s7 =	simm.s32 @p2 $0x1082  }
0x22: {  	[simem:s7], [sflag:s8] =	dma.local @!p0 [hbm:s6], $0xF7A  }
0x23: {  	s9 =	sor.u32 $0xD0000000, s2;
	s6 =	simm.s32 $0x108;
	_ =	swait.ge @!p0 [sflag:s8], $0x0  }
0x24: {  	s3 =	sadd.s32 $0x88, s3;
	s6 =	simm.s32 @!p1 $0x1082;
	[sflag:s4] =	ssyncset.s32 $0xFFFFF086  }
0x25: {  	[simem:s6], [sflag:s4] =	dma.local [hbm:s3], $0xF7A  }
0x26: {  	[smem:$0x3F98] =	sst s1;
	(tag) =	ssettag s2;
	_ =	strace s9  }
0x27: {  	s1 =	sld [smem:$0x3FA8]  }
0x28: {  	s2 =	sld [smem:$0x3FA9]  }
0x29: {  	s4 =	sld [smem:$0x3FAB]  }
0x2a: {  	p0 =	seq.s32 s5, $0x0;
	s5 =	sld [smem:$0x3FAC]  }
0x2b: {  	s6 =	sld [smem:$0x3FAD]  }
0x2c: {  	s7 =	sld [smem:$0x3FAE]  }
0x2d: {  	s3 =	simm.s32 $0x108;
	s8 =	sld [smem:$0x3FAF]  }
0x2e: {  	s3 =	simm.s32 @!p0 $0x1082;
	s9 =	sld [smem:$0x3FB0]  }
0x2f: {  	lr =	sadd.s32 s0, s3;
	s0 =	sld [smem:$0x3FA7]  }
0x30: {  	s3 =	sld [smem:$0x3FAA]  }
0x31: {  	[smem:$0x3FB3] =	sst s10  }
0x32: {  	s10 =	sld [smem:$0x3FB1];
	_ =	sdelay $0x3  }
0x33: {  	p0 =	seq.s32 s10, $0x1;
	s10 =	sld [smem:$0x3FB3];
	_ =	sdelay $0x3  }
0x34: {  	[smem:$0x3FB3] =	sst s10  }
0x35: {  	s10 =	sld [smem:$0x3FB2];
	_ =	sdelay $0x3  }
0x36: {  	p1 =	seq.s32 s10, $0x1;
	s10 =	sld [smem:$0x3FB3];
	_ =	sdelay $0x3  }
0x37: {  	[smem:$0x3FB3] =	sst s10  }
0x38: {  	s10 =	sld [smem:$0x3FB4]  }
0x39: {  	_ = 	snop;
	(pc) =	sbr.ind lr, $3  }
0x3a: {  	_ = 	snop  }
0x3b: {  	_ = 	snop  }
0x3c: {  	p2 =	seq.s32 s10, $0x1;
	s10 =	sld [smem:$0x3FB3]  }
0x3d: {  	_ =	shalt  }
0x3e: {  	_ =	shalt  }
0x3f: {  	_ =	shalt  }
0x40: {  	_ =	shalt  }
0x41: {  	_ =	shalt  }
0x42: {  	_ =	shalt  }
0x43: {  	_ =	shalt  }
0x44: {  	_ =	shalt  }
0x45: {  	_ =	shalt  }
0x46: {  	_ =	shalt  }
0x47: {  	_ =	shalt  }
0x48: {  	_ =	shalt  }
0x49: {  	_ =	shalt  }
0x4a: {  	_ =	shalt  }
0x4b: {  	_ =	shalt  }
0x4c: {  	_ =	shalt  }
0x4d: {  	_ =	shalt  }
0x4e: {  	_ =	shalt  }
0x4f: {  	_ =	shalt  }
0x50: {  	_ =	shalt  }
0x51: {  	_ =	shalt  }
0x52: {  	_ =	shalt  }
0x53: {  	_ =	shalt  }
0x54: {  	_ =	shalt  }
0x55: {  	_ =	shalt  }
0x56: {  	_ =	shalt  }
0x57: {  	_ =	shalt  }
0x58: {  	_ =	shalt  }
0x59: {  	_ =	shalt  }
0x5a: {  	_ =	shalt  }
0x5b: {  	_ =	shalt  }
0x5c: {  	_ =	shalt  }
0x5d: {  	_ =	shalt  }
0x5e: {  	_ =	shalt  }
0x5f: {  	_ =	shalt  }
0x60: {  	_ =	shalt  }
0x61: {  	_ =	shalt  }
0x62: {  	_ =	shalt  }
0x63: {  	_ =	shalt  }
0x64: {  	_ =	shalt  }
0x65: {  	_ =	shalt  }
0x66: {  	_ =	shalt  }
0x67: {  	_ =	shalt  }
0x68: {  	_ =	shalt  }
0x69: {  	_ =	shalt  }
0x6a: {  	_ =	shalt  }
0x6b: {  	_ =	shalt  }
0x6c: {  	_ =	shalt  }
0x6d: {  	_ =	shalt  }
0x6e: {  	_ =	shalt  }
0x6f: {  	_ =	shalt  }
0x70: {  	_ =	shalt  }
0x71: {  	_ =	shalt  }
0x72: {  	_ =	shalt  }
0x73: {  	_ =	shalt  }
0x74: {  	_ =	shalt  }
0x75: {  	_ =	shalt  }
0x76: {  	_ =	shalt  }
0x77: {  	_ =	shalt  }
0x78: {  	_ =	shalt  }
0x79: {  	_ =	shalt  }
0x7a: {  	_ =	shalt  }
0x7b: {  	_ =	shalt  }
0x7c: {  	_ =	shalt  }
0x7d: {  	_ =	shalt  }
0x7e: {  	_ =	shalt  }
0x7f: {  	_ =	shalt  }
0x80: {  	_ =	shalt  }
0x81: {  	_ =	shalt  }
0x82: {  	_ =	shalt  }
0x83: {  	_ =	shalt  }
0x84: {  	_ =	shalt  }
0x85: {  	_ =	shalt  }
0x86: {  	_ =	shalt  }
0x87: {  	_ =	shalt  }
.Lfunc_end0:
.L_simem_size_0:
called_computation_lowered:
.L_overlay_start_0:
0x88: {  	s2 =	sld [smem:$0x3FD9]  }
0x89: {  	s3 =	sld [smem:$0x3FFE];
	_ =	sdelay $0x1  }
0x8a: {  	s1 =	srdreg.scid  }
0x8b: {  	s0 =	sand.u32 $0x1, s1  }
0x8c: {  	s17 =	sshll.u32 s0, $0xA;
	s2 =	sadd.s32 s3, s2  }
0x8d: {  	s2 =	sadd.s32 s2, s17  }
0x8e: {  	[smem:$0x3FBF] =	sst s2  }
0x8f: {  	_ = 	snop  }
0x90: {  	s2 =	sld [smem:$0x3FC9]  }
0x91: {  	s18 =	sld [smem:$0x3FD0];
	(tm) =	ssettm $0x1  }
0x92: {  	s4 =	sld [smem:$0x3FFB];
	_ =	sdelay $0x3  }
0x93: {  	_ =	strace s4  }
0x94: {  	s4 =	sld [smem:$0x3FFC];
	_ =	sdelay $0x3  }
0x95: {  	_ =	strace s4  }
0x96: {  	s4 =	sld [smem:$0x3FFD];
	_ =	sdelay $0x3  }
0x97: {  	_ =	strace s4  }
0x98: {  	_ =	strace $0x8FFFFFFF  }
0x99: {  	s19 =	sld [smem:$0x3FDB];
	_ =	sdelay $0x1  }
0x9a: {  	s5 =	simm.s32 $_scs_section_size  }
0x9b: {  	s6 =	simm.s32 $_size__tile_overlayer_lowered;
	s7 =	simm.s32 $_tile_overlayer_lowered  }
0x9c: {  	s22 =	simm.s32 $0x1BFF;
	s21 =	sshll.u32 s7, $0x1;
	s4 =	sadd.s32 s5, s19  }
0x9d: {  	s8 =	simm.s32 $0x0;
	s20 =	sshll.u32 s6, $0x1;
	s6 =	sadd.s32 s21, s4  }
0x9e: {  	[timem:s8], [sflag:s22] =	dma.local [hbm:s6], s20  }
0x9f: {  	_ =	swait.ge [sflag:s22], s20  }
0xa0: {  	s5 =	ssub.s32 $0x0, s20;
	[sflag:s22] =	ssyncset.done $0x0  }
0xa1: {  	[sflag:s22] =	ssyncadd.s32 s5;
	_ =	sdelay $0x1  }
0xa2: {  	s23 =	simm.s32 $0x1B8B  }
0xa3: {  	_ =	swait.ge [sflag:s23], $0x1  }
0xa4: {  	[sflag:s23] =	ssyncset.done $0x0  }
0xa5: {  	s25 =	simm.s32 $0x1B8E;
	s24 =	sld [smem:$0x3FFE];
	[sflag:s23] =	ssyncadd.s32 $0xFFFFFFFF  }
0xa6: {  	s26 =	simm.s32 $execute0_lowered;
	[smem:$0x3FD2] =	sst s25  }
0xa7: {  	s6 =	sshll.u32 s26, $0x1;
	_ =	strace $0x80000046;
	[dreg:$0x1] =	wrdreg $0xFFFFFFFF  }
0xa8: {  	s28 =	simm.s32 $_size_execute0_lowered;
	s4 =	sadd.s32 s4, s6;
	[dreg:$0x0] =	wrdreg $0x0  }
0xa9: {  	s6 =	sshll.u32 s28, $0x1;
	[dreg:$0x2] =	wrdreg s4  }
0xaa: {  	[dreg:$0x3] =	wrdreg s6  }
0xab: {  	[dreg:$0x4] =	wrdreg $0xC0  }
0xac: {  	_ =	task [dreg:s8], $0x5FFFF  }
0xad: {  	[dreg:$0x1] =	wrdreg $0xFFFFFFFF  }
0xae: {  	[dreg:$0x0] =	wrdreg $0x60  }
0xaf: {  	[dreg:$0x2] =	wrdreg s24  }
0xb0: {  	[dreg:$0x3] =	wrdreg s18  }
0xb1: {  	[dreg:$0x4] =	wrdreg s2  }
0xb2: {  	[dreg:$0x5] =	wrdreg $0xA6000  }
0xb3: {  	[dreg:$0x6] =	wrdreg $0x9  }
0xb4: {  	_ =	task.clear_ibuf [dreg:s8], $0x7FFFF;
	_ =	strace $0x90000046  }
0xb5: {  	s29 =	simm.s32 $0x9;
	_ =	strace $0x80000048  }
0xb6: {  	_ =	swait.ge [sflag:s29], $0x1  }
0xb7: {  	[sflag:s29] =	ssyncadd.s32 $0xFFFFFFFF  }
0xb8: {  	_ =	strace $0x90000048  }
0xb9: {  	_ =	sfence  }
0xba: {  	s30 =	sld [smem:$0x0];
	_ =	sdelay $0x2  }
0xbb: {  	s31 =	sshll.u32 s1, $0xD;
	s1 =	sshrl.u32 s1, $0x2  }
0xbc: {  	s3 =	sand.u32 $0x4000, s31;
	s1 =	sadd.s32 s1, s30  }
0xbd: {  	s0 =	sor.u32 s3, s0;
	s1 =	sshll.u32 s1, $0x11  }
0xbe: {  	s0 =	sor.u32 s1, s0  }
0xbf: {  	s0 =	sadd.s32 $0x8F2B, s0  }
0xc0: {  	[sflag:s0] =	ssyncadd.remote.s32 $0x1  }
0xc1: {  	_ =	sfence.sel $0xFFFF  }
0xc2: {  	[dreg:$0x0] =	wrdreg $0xFFFFFFFF;
	(pc) =	sbr.abs _section_cstart, $3  }
0xc3: {  	[dreg:$0x1] =	wrdreg $0xFFFFFFFF  }
0xc4: {  	_ =	task.clear_ibuf [dreg:s8], $0x2FFFF;
	_ =	strace $0x9FFFFFFF  }
0xc5: {  	(tm) =	ssettm $0x7FFFFFFF  }
tec
execute0_lowered:
.L_overlay_start_1:
0x0: {  	(tag) =	ssettag $0x1  }
0x1: {  	s0 =	rddreg [dreg:$0x0]  }
0x2: {  	s3 =	rddreg [dreg:$0x1]  }
0x3: {  	s1 =	rddreg [dreg:$0x2]  }
0x4: {  	s2 =	rddreg [dreg:$0x3]  }
0x5: {  	s4 =	srdreg.scid;
	s16 =	stileid.u32;
	s28 =	simm.s32 $0x50  }
0x6: {  	s29 =	simm.s32 $0x600;
	s30 =	simm.s32 $0x100;
	s10 =	smul.u32 $0x14000, s16  }
0x7: {  	s31 =	simm.s32 $0x5600;
	s9 =	sand.u32 $0x1, s4;
	s25 =	smul.u32 $0x280, s16  }
0x8: {  	s4 =	simm.s32 $0x0;
	s5 =	sadd.s32 $0x11600, s0;
	s22 =	smul.u32 $0x50, s16  }
0x9: {  	s6 =	sadd.s32 $0x1600, s0;
	s7 =	sadd.s32 $0x9E5600, s0;
	s8 =	smul.u32 $0x140000, s9  }
0xa: {  	[smem:$0x7FF] =	sst s4;
	s11 =	ssub.s32 $0x2, s9;
	s12 =	sshll.u32 s9, $0x4  }
0xb: {  	s9 =	smul.u32 $0x64000, s9;
	_ =	strace $0x80000047;
	s24 =	sor.u32 s16, s12  }
0xc: {  	s23 =	sshrl.u32 s11, $0x1;
	s12 =	sshrl.u32 s25, $0x3;
	s14 =	sshll.u32 s24, $0xB  }
0xd: {  	s8 =	sadd.s32 s10, s8;
	s13 =	ssub.s32 s11, s23;
	s17 =	sadd.s32 s5, s14  }
0xe: {  	s15 =	smul.u32 $0x27100, s24;
	s14 =	sadd.s32 s6, s14;
	[dreg:$0x5] =	wrdreg s17  }
0xf: {  	s10 =	sadd.s32 $0x21600, s0;
	s13 =	smax.u32 s13, $0x1;
	[dreg:$0x6] =	wrdreg s14  }
0x10: {  	s11 =	smul.u32 $0x2710, s24;
	s26 =	sadd.s32 s7, s15;
	[dreg:$0x8] =	wrdreg s13  }
0x11: {  	s8 =	sshrl.u32 s8, $0x3;
	s15 =	sadd.s32 s10, s12;
	[dreg:$0x7] =	wrdreg s26  }
0x12: {  	s0 =	sadd.s32 s8, s0;
	s18 =	sadd.s32 $0xA, s15;
	[dreg:$0x9] =	wrdreg s15  }
0x13: {  	s8 =	sshll.u32 s24, $0xE;
	s19 =	sadd.s32 $0x14, s15;
	[dreg:$0xa] =	wrdreg s18  }
0x14: {  	s17 =	smul.u32 $0x6400, s16;
	s20 =	sadd.s32 $0x1E, s15;
	[dreg:$0xb] =	wrdreg s19  }
0x15: {  	s13 =	simm.s32 $0x2;
	s21 =	sadd.s32 $0x28, s15;
	[dreg:$0xc] =	wrdreg s20  }
0x16: {  	s16 =	simm.s32 $0x200;
	s23 =	sadd.s32 $0x32, s15;
	[dreg:$0xd] =	wrdreg s21  }
0x17: {  	s12 =	simm.s32 $0x0;
	s24 =	sadd.s32 $0x3C, s15;
	[dreg:$0xe] =	wrdreg s23  }
0x18: {  	s25 =	sadd.s32 $0x46, s15;
	s26 =	sadd.s32 $0x21C00, s0;
	[dreg:$0xf] =	wrdreg s24  }
0x19: {  	s0 =	sadd.s32 $0x71C00, s0;
	s15 =	simm.s32 $0x4;
	[dreg:$0x10] =	wrdreg s25  }
0x1a: {  	s9 =	sadd.s32 s17, s9;
	s21 =	sadd.s32 s22, s10;
	[dreg:$0x11] =	wrdreg s26  }
0x1b: {  	[dreg:$0x12] =	wrdreg s0;
	s26 =	simm.s32 $0x6;
	s0 =	simm.s32 $0x1  }
0x1c: {  	s10 =	simm.s32 $0x2E00;
	s17 =	simm.s32 $0x280;
	s18 =	simm.s32 $0x300  }
0x1d: {  	s19 =	simm.s32 $0x380;
	s20 =	simm.s32 $0x400;
	s9 =	sshrl.u32 s9, $0x3  }
0x1e: {  	v0 =	vimm.f32 $0.0e+00;
	v1 =	vimm.f32 $1.000000000e+00;
	s22 =	simm.s32 $0x3;
	s23 =	sadd.s32 s9, s3;
	s9 =	simm.s32 $0x180  }
.LBB2_1:
0x1f: {  	[dreg:$0x13] =	wrdreg s12;
	s12 =	simm.s32 $0x0;
	s14 =	simm.s32 $0x200  }
.LBB2_2:
0x20: {  	p0 =	sne.s32 s14, $0x9E00;
	[tilespmem:s12+$0x670] =	vst v0  }
0x21: {  	[tilespmem:s12+$0x600] =	vst v0  }
0x22: {  	[tilespmem:s12+$0x610] =	vst v0  }
.Ltmp0:
0x23: {  	[tilespmem:s12+$0x620] =	vst v0;
	(pc) =	sbr.rel @p0 .LBB2_2-.Ltmp0, $4  }
0x24: {  	[tilespmem:s12+$0x630] =	vst v0  }
0x25: {  	[tilespmem:s12+$0x640] =	vst v0  }
0x26: {  	[tilespmem:s12+$0x650] =	vst v0  }
0x27: {  	[tilespmem:s12+$0x660] =	vst v0;
	s12 =	sshra.s32 s14, $0x2;
	s14 =	sadd.s32 $0x200, s14  }
0x28: {  	[tilespmem:s12+$0x670] =	vst v0  }
0x29: {  	[tilespmem:s12+$0x600] =	vst v0  }
0x2a: {  	[tilespmem:s12+$0x610] =	vst v0  }
0x2b: {  	[tilespmem:s12+$0x620] =	vst v0  }
0x2c: {  	[tilespmem:s12+$0x630] =	vst v0  }
0x2d: {  	[tilespmem:s12+$0x640] =	vst v0  }
0x2e: {  	[tilespmem:s12+$0x650] =	vst v0  }
0x2f: {  	[tilespmem:s12+$0x660] =	vst v0;
	s25 =	simm.s32 $0x0;
	s3 =	rddreg [dreg:$0x9]  }
0x30: {  	[tilespmem:s25], [sflag:$0x6] =	stream.linear.gather [hbm4b:s3+s25], $0x50, $0x38;
	[tilespmem:$0x1E600] =	vst v63  }
0x31: {  	_ =	swait.ge [sflag:s26], $0x50  }
0x32: {  	[sflag:s26] =	ssyncset.done $0x0  }
0x33: {  	[sflag:s26] =	ssyncadd.s32 $0xFFFFFFB0  }
0x34: {  	[spmem:s2] =	stream.indirect.scatter [tilespmem:s29], [sflag:$0x6], $0x80, s25, s28, $0xb8;
	[tilespmem:$0x1E600] =	vst v63  }
0x35: {  	_ =	swait.ge [sflag:s26], $0x2800  }
0x36: {  	[sflag:s26] =	ssyncset.done $0x0  }
0x37: {  	s24 =	rddreg [dreg:$0xa];
	[sflag:s26] =	ssyncadd.s32 $0xFFFFD800  }
0x38: {  	[tilespmem:s25], [sflag:$0x6] =	stream.linear.gather [hbm4b:s24+s25], $0x50, $0x38;
	[tilespmem:$0x1E600] =	vst v63  }
0x39: {  	_ =	swait.ge [sflag:s26], $0x50  }
0x3a: {  	[sflag:s26] =	ssyncset.done $0x0  }
0x3b: {  	[sflag:s26] =	ssyncadd.s32 $0xFFFFFFB0  }
0x3c: {  	[spmem:s2] =	stream.indirect.scatter [tilespmem:s29], [sflag:$0x6], $0x80, s25, s28, $0xb8;
	[tilespmem:$0x1E600] =	vst v63  }
0x3d: {  	_ =	swait.ge [sflag:s26], $0x2800  }
0x3e: {  	[sflag:s26] =	ssyncset.done $0x0  }
0x3f: {  	s12 =	rddreg [dreg:$0xb];
	[sflag:s26] =	ssyncadd.s32 $0xFFFFD800  }
0x40: {  	[tilespmem:s25], [sflag:$0x6] =	stream.linear.gather [hbm4b:s12+s25], $0x50, $0x38;
	[tilespmem:$0x1E600] =	vst v63  }
0x41: {  	_ =	swait.ge [sflag:s26], $0x50  }
0x42: {  	[sflag:s26] =	ssyncset.done $0x0  }
0x43: {  	[sflag:s26] =	ssyncadd.s32 $0xFFFFFFB0  }
0x44: {  	[spmem:s2] =	stream.indirect.scatter [tilespmem:s29], [sflag:$0x6], $0x80, s25, s28, $0xb8;
	[tilespmem:$0x1E600] =	vst v63  }
0x45: {  	_ =	swait.ge [sflag:s26], $0x2800  }
0x46: {  	[sflag:s26] =	ssyncset.done $0x0  }
0x47: {  	s14 =	rddreg [dreg:$0xc];
	[sflag:s26] =	ssyncadd.s32 $0xFFFFD800  }
0x48: {  	[tilespmem:s25], [sflag:$0x6] =	stream.linear.gather [hbm4b:s14+s25], $0x50, $0x38;
	[tilespmem:$0x1E600] =	vst v63  }
0x49: {  	_ =	swait.ge [sflag:s26], $0x50  }
0x4a: {  	[sflag:s26] =	ssyncset.done $0x0  }
0x4b: {  	[sflag:s26] =	ssyncadd.s32 $0xFFFFFFB0  }
0x4c: {  	[spmem:s2] =	stream.indirect.scatter [tilespmem:s29], [sflag:$0x6], $0x80, s25, s28, $0xb8;
	[tilespmem:$0x1E600] =	vst v63  }
0x4d: {  	_ =	swait.ge [sflag:s26], $0x2800  }
0x4e: {  	[sflag:s26] =	ssyncset.done $0x0  }
0x4f: {  	s24 =	rddreg [dreg:$0xd];
	[sflag:s26] =	ssyncadd.s32 $0xFFFFD800  }
0x50: {  	[tilespmem:s25], [sflag:$0x6] =	stream.linear.gather [hbm4b:s24+s25], $0x50, $0x38;
	[tilespmem:$0x1E600] =	vst v63  }
0x51: {  	_ =	swait.ge [sflag:s26], $0x50  }
0x52: {  	[sflag:s26] =	ssyncset.done $0x0  }
0x53: {  	[sflag:s26] =	ssyncadd.s32 $0xFFFFFFB0  }
0x54: {  	[spmem:s2] =	stream.indirect.scatter [tilespmem:s29], [sflag:$0x6], $0x80, s25, s28, $0xb8;
	[tilespmem:$0x1E600] =	vst v63  }
0x55: {  	_ =	swait.ge [sflag:s26], $0x2800  }
0x56: {  	[sflag:s26] =	ssyncset.done $0x0  }
0x57: {  	s12 =	rddreg [dreg:$0xe];
	[sflag:s26] =	ssyncadd.s32 $0xFFFFD800  }
0x58: {  	[tilespmem:s25], [sflag:$0x6] =	stream.linear.gather [hbm4b:s12+s25], $0x50, $0x38;
	[tilespmem:$0x1E600] =	vst v63  }
0x59: {  	_ =	swait.ge [sflag:s26], $0x50  }
0x5a: {  	[sflag:s26] =	ssyncset.done $0x0  }
0x5b: {  	[sflag:s26] =	ssyncadd.s32 $0xFFFFFFB0  }
0x5c: {  	[spmem:s2] =	stream.indirect.scatter [tilespmem:s29], [sflag:$0x6], $0x80, s25, s28, $0xb8;
	[tilespmem:$0x1E600] =	vst v63  }
0x5d: {  	_ =	swait.ge [sflag:s26], $0x2800  }
0x5e: {  	[sflag:s26] =	ssyncset.done $0x0  }
0x5f: {  	s14 =	rddreg [dreg:$0xf];
	[sflag:s26] =	ssyncadd.s32 $0xFFFFD800  }
0x60: {  	[tilespmem:s25], [sflag:$0x6] =	stream.linear.gather [hbm4b:s14+s25], $0x50, $0x38;
	[tilespmem:$0x1E600] =	vst v63  }
0x61: {  	_ =	swait.ge [sflag:s26], $0x50  }
0x62: {  	[sflag:s26] =	ssyncset.done $0x0  }
0x63: {  	[sflag:s26] =	ssyncadd.s32 $0xFFFFFFB0  }
0x64: {  	[spmem:s2] =	stream.indirect.scatter [tilespmem:s29], [sflag:$0x6], $0x80, s25, s28, $0xb8;
	[tilespmem:$0x1E600] =	vst v63  }
0x65: {  	_ =	swait.ge [sflag:s26], $0x2800  }
0x66: {  	[sflag:s26] =	ssyncset.done $0x0  }
0x67: {  	s24 =	rddreg [dreg:$0x10];
	[sflag:s26] =	ssyncadd.s32 $0xFFFFD800  }
0x68: {  	[tilespmem:s25], [sflag:$0x6] =	stream.linear.gather [hbm4b:s24+s25], $0x50, $0x38;
	[tilespmem:$0x1E600] =	vst v63  }
0x69: {  	_ =	swait.ge [sflag:s26], $0x50  }
0x6a: {  	[sflag:s26] =	ssyncset.done $0x0  }
0x6b: {  	[sflag:s26] =	ssyncadd.s32 $0xFFFFFFB0  }
0x6c: {  	[spmem:s2] =	stream.indirect.scatter [tilespmem:s29], [sflag:$0x6], $0x80, s25, s28, $0xb8;
	[tilespmem:$0x1E600] =	vst v63  }
0x6d: {  	_ =	swait.ge [sflag:s26], $0x2800  }
0x6e: {  	[sflag:s26] =	ssyncset.done $0x0  }
0x6f: {  	[sflag:s26] =	ssyncadd.s32 $0xFFFFD800  }
0x70: {  	[bflag:$0x0] =	sbarrier.arrive $0xFFFF  }
0x71: {  	s12 =	rddreg [dreg:$0x5]  }
0x72: {  	[tilespmem:s25], [sflag:$0x6] =	stream.linear.gather [hbm4b:s12+s25], $0x80, $0x38;
	[tilespmem:$0x1E600] =	vst v63  }
0x73: {  	_ =	swait.ge [sflag:s26], $0x80  }
0x74: {  	[sflag:s26] =	ssyncset.done $0x0  }
0x75: {  	s14 =	rddreg [dreg:$0x6];
	[sflag:s26] =	ssyncadd.s32 $0xFFFFFF80  }
0x76: {  	[tilespmem:s30], [sflag:$0x6] =	stream.linear.gather [hbm4b:s14+s25], $0x80, $0x38;
	[tilespmem:$0x1E600] =	vst v63  }
0x77: {  	_ =	swait.ge [sflag:s26], $0x80  }
.Ltmp1:
0x78: {  	[sflag:s26] =	ssyncset.done $0x0;
	(pc) =	sbr.rel .LBB2_4-.Ltmp1, $4  }
0x79: {  	[sflag:s26] =	ssyncadd.s32 $0xFFFFFF80  }
0x7a: {  	[tilespmem:s29], [sflag:$0x2] =	stream.indirect.gather [hbm4b:s1+s28], $0x80, s25, s28, $0xb8;
	[tilespmem:$0x1E600] =	vst v63  }
0x7b: {  	s3 =	simm.s32 $0x80;
	s24 =	rddreg [dreg:$0x7]  }
0x7c: {  	[tilespmem:s31], [sflag:$0x2] =	stream.linear.gather [hbm4b:s24+s25], $0x2800, $0x38;
	[tilespmem:$0x1E600] =	vst v63  }
.LBB2_12:
0x7d: {  	[tilespmem:s14+$0x2E00] =	vst v14;
	v7 =	vmul.f32 v7, v12;
	v63 =	vld [tilespmem:s14+$0x2E70]  }
0x7e: {  	[tilespmem:s14+$0x2E10] =	vst v13;
	v6 =	vmul.f32 v6, v11  }
0x7f: {  	v5 =	vmul.f32 v5, v10;
	[tilespmem:s14+$0x2E20] =	vst v7  }
0x80: {  	v4 =	vmul.f32 v4, v8;
	[tilespmem:s14+$0x2E30] =	vst v6  }
0x81: {  	v3 =	vmul.f32 v3, v9;
	[tilespmem:s14+$0x2E40] =	vst v5  }
0x82: {  	[tilespmem:s14+$0x2E50] =	vst v4;
	v2 =	vmul.f32 v2, v63  }
0x83: {  	[tilespmem:s14+$0x2E60] =	vst v3  }
0x84: {  	[tilespmem:s14+$0x2E70] =	vst v2  }
0x85: {  	[spmem:s2] =	stream.indirect.scatter.add.f32 [tilespmem:s10], [sflag:$0x5], $0x80, s9, s28, $0xb8;
	[tilespmem:$0x1E600] =	vst v63  }
.LBB2_13:
0x86: {  	p0 =	sne.s32 s25, $0x7D  }
.Ltmp2:
0x87: {  	_ = 	snop;
	(pc) =	sbr.rel @!p0 .LBB2_14-.Ltmp2, $1  }
0x88: {  	_ =	sdelay $0x3  }
.LBB2_4:
0x89: {  	s12 =	sand.u32 $0x1, s25  }
0x8a: {  	p0 =	seq.s32 s12, $0x1  }
.Ltmp3:
0x8b: {  	_ = 	snop;
	(pc) =	sbr.rel @p0 .LBB2_10-.Ltmp3, $1  }
0x8c: {  	_ =	sdelay $0x3  }
0x8d: {  	p0 =	seq.s32 s25, $0x0  }
0x8e: {  	s12 =	sor.u32 @!p0 $0x1, s25  }
0x8f: {  	p1 =	sgt.u32 @!p0 s12, $0x7C  }
0x90: {  	p1 =	por p0, !p1  }
.Ltmp4:
0x91: {  	_ = 	snop;
	(pc) =	sbr.rel @!p1 .LBB2_7-.Ltmp4, $4  }
0x92: {  	s14 =	simm.s32 @!p0 $0x5  }
0x93: {  	_ =	swait.ge @!p0 [sflag:s14], $0x2800  }
0x94: {  	[sflag:s14] =	ssyncset.done @!p0 $0x0  }
0x95: {  	[sflag:s14] =	ssyncadd.s32 @!p0 $0xFFFFD800  }
0x96: {  	s12 =	simm.s32 @p0 $0x1  }
0x97: {  	s24 =	sshll.u32 s25, $0x7;
	s14 =	sshll.u32 s12, $0x7  }
0x98: {  	s24 =	sand.u32 $0x3C00, s24;
	s14 =	sand.u32 $0x380, s14  }
0x99: {  	s14 =	sor.u32 s14, s24  }
0x9a: {  	s14 =	sor.u32 s8, s14  }
0x9b: {  	s14 =	sshrl.u32 s14, $0x3  }
0x9c: {  	s24 =	sadd.s32 s5, s14  }
0x9d: {  	[tilespmem:s3], [sflag:$0x6] =	stream.linear.gather [hbm4b:s24+s4], $0x80, $0x38;
	[tilespmem:$0x1E600] =	vst v63  }
0x9e: {  	_ =	swait.ge [sflag:s26], $0x80  }
0x9f: {  	[sflag:s26] =	ssyncset.done $0x0  }
0xa0: {  	s12 =	smul.u32 $0x50, s12;
	s14 =	sadd.s32 s6, s14;
	[sflag:s26] =	ssyncadd.s32 $0xFFFFFF80  }
0xa1: {  	[tilespmem:s9], [sflag:$0x6] =	stream.linear.gather [hbm4b:s14+s4], $0x80, $0x38;
	[tilespmem:$0x1E600] =	vst v63  }
0xa2: {  	_ =	swait.ge [sflag:s26], $0x80  }
0xa3: {  	s12 =	sadd.s32 s11, s12;
	[sflag:s26] =	ssyncset.done $0x0  }
0xa4: {  	s12 =	sshll.u32 s12, $0x4;
	[sflag:s26] =	ssyncadd.s32 $0xFFFFFF80  }
0xa5: {  	[tilespmem:s10], [sflag:$0x3] =	stream.indirect.gather [hbm4b:s1+s28], $0x80, s3, s28, $0xb8;
	[tilespmem:$0x1E600] =	vst v63  }
0xa6: {  	s12 =	sadd.s32 s7, s12;
	s24 =	simm.s32 $0x7E00  }
0xa7: {  	[tilespmem:s24], [sflag:$0x3] =	stream.linear.gather [hbm4b:s12+s4], $0x2800, $0x38;
	[tilespmem:$0x1E600] =	vst v63  }
.LBB2_7:
0xa8: {  	_ =	swait.ge [sflag:s13], $0x2800  }
0xa9: {  	[sflag:s13] =	ssyncset.done $0x0  }
0xaa: {  	[sflag:s13] =	ssyncadd.s32 $0xFFFFD800  }
0xab: {  	_ =	swait.ge [sflag:s13], $0x2800  }
0xac: {  	[sflag:s13] =	ssyncset.done $0x0  }
0xad: {  	s14 =	simm.s32 $0x0;
	[sflag:s13] =	ssyncadd.s32 $0xFFFFD800  }
0xae: {  	v9 =	vld [tilespmem:s14+$0x5600]  }
0xaf: {  	v13 =	vld [tilespmem:s14+$0x5610]  }
0xb0: {  	v7 =	vld [tilespmem:s14+$0x5620]  }
0xb1: {  	v6 =	vld [tilespmem:s14+$0x5630]  }
0xb2: {  	v5 =	vld [tilespmem:s14+$0x5640]  }
0xb3: {  	v4 =	vld [tilespmem:s14+$0x5650]  }
0xb4: {  	v3 =	vld [tilespmem:s14+$0x5660]  }
0xb5: {  	v2 =	vld [tilespmem:s14+$0x5670]  }
0xb6: {  	v14 =	vld [tilespmem:s14+$0x600]  }
0xb7: {  	v15 =	vld [tilespmem:s14+$0x610]  }
0xb8: {  	v12 =	vld [tilespmem:s14+$0x620]  }
0xb9: {  	v11 =	vld [tilespmem:s14+$0x630]  }
0xba: {  	v10 =	vld [tilespmem:s14+$0x640]  }
0xbb: {  	v8 =	vld [tilespmem:s14+$0x650];
	v14 =	vmul.f32 v9, v14  }
0xbc: {  	s12 =	simm.s32 $0x200;
	v13 =	vmul.f32 v13, v15;
	v9 =	vld [tilespmem:s14+$0x660]  }
.LBB2_8:
0xbd: {  	s24 =	sshra.s32 s12, $0x2;
	p0 =	sne.s32 s12, $0x9E00;
	[tilespmem:s14+$0x600] =	vst v14;
	v7 =	vmul.f32 v7, v12;
	v12 =	vld [tilespmem:s14+$0x670]  }
0xbe: {  	v14 =	vld [tilespmem:s24+$0x5600];
	[tilespmem:s14+$0x610] =	vst v13;
	v6 =	vmul.f32 v6, v11  }
0xbf: {  	v13 =	vld [tilespmem:s24+$0x5610];
	[tilespmem:s14+$0x620] =	vst v7;
	v5 =	vmul.f32 v5, v10  }
0xc0: {  	v7 =	vld [tilespmem:s24+$0x5620];
	[tilespmem:s14+$0x630] =	vst v6;
	v4 =	vmul.f32 v4, v8  }
0xc1: {  	v6 =	vld [tilespmem:s24+$0x5630];
	[tilespmem:s14+$0x640] =	vst v5;
	v3 =	vmul.f32 v3, v9  }
0xc2: {  	v5 =	vld [tilespmem:s24+$0x5640];
	[tilespmem:s14+$0x650] =	vst v4;
	v2 =	vmul.f32 v2, v12  }
0xc3: {  	v4 =	vld [tilespmem:s24+$0x5650];
	[tilespmem:s14+$0x660] =	vst v3  }
0xc4: {  	v3 =	vld [tilespmem:s24+$0x5660];
	[tilespmem:s14+$0x670] =	vst v2;
	s14 =	smov.u32 s24  }
0xc5: {  	v2 =	vld [tilespmem:s14+$0x5670]  }
0xc6: {  	v8 =	vld [tilespmem:s14+$0x600]  }
0xc7: {  	v9 =	vld [tilespmem:s14+$0x610]  }
.Ltmp5:
0xc8: {  	v12 =	vld [tilespmem:s14+$0x620];
	(pc) =	sbr.rel @p0 .LBB2_8-.Ltmp5, $4  }
0xc9: {  	v11 =	vld [tilespmem:s14+$0x630]  }
0xca: {  	v10 =	vld [tilespmem:s14+$0x640]  }
0xcb: {  	v14 =	vmul.f32 v14, v8;
	v8 =	vld [tilespmem:s14+$0x650]  }
0xcc: {  	s12 =	sadd.s32 $0x200, s12;
	v13 =	vmul.f32 v13, v9;
	v9 =	vld [tilespmem:s14+$0x660]  }
0xcd: {  	[tilespmem:s14+$0x600] =	vst v14;
	v7 =	vmul.f32 v7, v12;
	v63 =	vld [tilespmem:s14+$0x670]  }
0xce: {  	[tilespmem:s14+$0x610] =	vst v13;
	v6 =	vmul.f32 v6, v11  }
0xcf: {  	[tilespmem:s14+$0x620] =	vst v7;
	v5 =	vmul.f32 v5, v10  }
0xd0: {  	[tilespmem:s14+$0x630] =	vst v6;
	v4 =	vmul.f32 v4, v8  }
.Ltmp6:
0xd1: {  	[tilespmem:s14+$0x640] =	vst v5;
	v3 =	vmul.f32 v3, v9;
	(pc) =	sbr.rel .LBB2_13-.Ltmp6, $4  }
0xd2: {  	[tilespmem:s14+$0x650] =	vst v4;
	v2 =	vmul.f32 v2, v63  }
0xd3: {  	[tilespmem:s14+$0x660] =	vst v3  }
0xd4: {  	s25 =	sor.u32 $0x1, s25;
	[tilespmem:s14+$0x670] =	vst v2  }
0xd5: {  	[spmem:s2] =	stream.indirect.scatter.add.f32 [tilespmem:s29], [sflag:$0x4], $0x80, s30, s28, $0xb8;
	[tilespmem:$0x1E600] =	vst v63  }
.LBB2_10:
0xd6: {  	s25 =	sadd.s32 $0x1, s25  }
0xd7: {  	s12 =	sshll.u32 s25, $0x7  }
0xd8: {  	s14 =	sand.u32 $0x7C00, s12  }
0xd9: {  	s12 =	sand.u32 $0x300, s12;
	s14 =	sadd.s32 s8, s14  }
0xda: {  	_ =	swait.ge [sflag:s15], $0x2800;
	s12 =	sor.u32 s12, s14  }
0xdb: {  	[sflag:s15] =	ssyncset.done $0x0;
	s12 =	sshrl.u32 s12, $0x3  }
0xdc: {  	s24 =	simm.s32 $0x0;
	[sflag:s15] =	ssyncadd.s32 $0xFFFFD800;
	s14 =	sadd.s32 s5, s12  }
0xdd: {  	[tilespmem:s24], [sflag:$0x6] =	stream.linear.gather [hbm4b:s14+s24], $0x80, $0x38;
	[tilespmem:$0x1E600] =	vst v63  }
0xde: {  	_ =	swait.ge [sflag:s26], $0x80  }
0xdf: {  	[sflag:s26] =	ssyncset.done $0x0  }
0xe0: {  	s12 =	sadd.s32 s6, s12;
	s14 =	smul.u32 $0x50, s25;
	[sflag:s26] =	ssyncadd.s32 $0xFFFFFF80  }
0xe1: {  	[tilespmem:s30], [sflag:$0x6] =	stream.linear.gather [hbm4b:s12+s24], $0x80, $0x38;
	[tilespmem:$0x1E600] =	vst v63  }
0xe2: {  	_ =	swait.ge [sflag:s26], $0x80  }
0xe3: {  	s12 =	sadd.s32 s11, s14;
	[sflag:s26] =	ssyncset.done $0x0  }
0xe4: {  	s12 =	sshll.u32 s12, $0x4;
	[sflag:s26] =	ssyncadd.s32 $0xFFFFFF80  }
0xe5: {  	[tilespmem:s29], [sflag:$0x2] =	stream.indirect.gather [hbm4b:s1+s28], $0x80, s24, s28, $0xb8;
	[tilespmem:$0x1E600] =	vst v63  }
0xe6: {  	s12 =	sadd.s32 s7, s12  }
0xe7: {  	[tilespmem:s31], [sflag:$0x2] =	stream.linear.gather [hbm4b:s12+s24], $0x2800, $0x38;
	[tilespmem:$0x1E600] =	vst v63  }
0xe8: {  	_ =	swait.ge [sflag:s22], $0x2800  }
0xe9: {  	[sflag:s22] =	ssyncset.done $0x0  }
0xea: {  	[sflag:s22] =	ssyncadd.s32 $0xFFFFD800  }
0xeb: {  	_ =	swait.ge [sflag:s22], $0x2800  }
0xec: {  	[sflag:s22] =	ssyncset.done $0x0  }
0xed: {  	s14 =	simm.s32 $0x0;
	[sflag:s22] =	ssyncadd.s32 $0xFFFFD800  }
0xee: {  	v9 =	vld [tilespmem:s14+$0x7E00]  }
0xef: {  	v13 =	vld [tilespmem:s14+$0x7E10]  }
0xf0: {  	v7 =	vld [tilespmem:s14+$0x7E20]  }
0xf1: {  	v6 =	vld [tilespmem:s14+$0x7E30]  }
0xf2: {  	v5 =	vld [tilespmem:s14+$0x7E40]  }
0xf3: {  	v4 =	vld [tilespmem:s14+$0x7E50]  }
0xf4: {  	v3 =	vld [tilespmem:s14+$0x7E60]  }
0xf5: {  	v2 =	vld [tilespmem:s14+$0x7E70]  }
0xf6: {  	v14 =	vld [tilespmem:s14+$0x2E00]  }
0xf7: {  	v15 =	vld [tilespmem:s14+$0x2E10]  }
0xf8: {  	v12 =	vld [tilespmem:s14+$0x2E20]  }
0xf9: {  	v11 =	vld [tilespmem:s14+$0x2E30]  }
0xfa: {  	v10 =	vld [tilespmem:s14+$0x2E40]  }
0xfb: {  	v8 =	vld [tilespmem:s14+$0x2E50];
	v14 =	vmul.f32 v9, v14  }
0xfc: {  	s12 =	simm.s32 $0x200;
	v13 =	vmul.f32 v13, v15;
	v9 =	vld [tilespmem:s14+$0x2E60]  }
.LBB2_11:
0xfd: {  	s24 =	sshra.s32 s12, $0x2;
	p0 =	sne.s32 s12, $0x9E00;
	[tilespmem:s14+$0x2E00] =	vst v14;
	v7 =	vmul.f32 v7, v12;
	v12 =	vld [tilespmem:s14+$0x2E70]  }
0xfe: {  	v6 =	vmul.f32 v6, v11;
	v14 =	vld [tilespmem:s24+$0x7E00];
	[tilespmem:s14+$0x2E10] =	vst v13  }
0xff: {  	v5 =	vmul.f32 v5, v10;
	v13 =	vld [tilespmem:s24+$0x7E10];
	[tilespmem:s14+$0x2E20] =	vst v7  }
0x100: {  	v4 =	vmul.f32 v4, v8;
	v7 =	vld [tilespmem:s24+$0x7E20];
	[tilespmem:s14+$0x2E30] =	vst v6  }
0x101: {  	v3 =	vmul.f32 v3, v9;
	v6 =	vld [tilespmem:s24+$0x7E30];
	[tilespmem:s14+$0x2E40] =	vst v5  }
0x102: {  	v5 =	vld [tilespmem:s24+$0x7E40];
	[tilespmem:s14+$0x2E50] =	vst v4;
	v2 =	vmul.f32 v2, v12  }
0x103: {  	v4 =	vld [tilespmem:s24+$0x7E50];
	[tilespmem:s14+$0x2E60] =	vst v3  }
0x104: {  	v3 =	vld [tilespmem:s24+$0x7E60];
	[tilespmem:s14+$0x2E70] =	vst v2;
	s14 =	smov.u32 s24  }
0x105: {  	v2 =	vld [tilespmem:s14+$0x7E70]  }
0x106: {  	v8 =	vld [tilespmem:s14+$0x2E00]  }
0x107: {  	v9 =	vld [tilespmem:s14+$0x2E10]  }
.Ltmp7:
0x108: {  	v12 =	vld [tilespmem:s14+$0x2E20];
	(pc) =	sbr.rel @p0 .LBB2_11-.Ltmp7, $4  }
0x109: {  	v11 =	vld [tilespmem:s14+$0x2E30]  }
0x10a: {  	v10 =	vld [tilespmem:s14+$0x2E40]  }
0x10b: {  	v14 =	vmul.f32 v14, v8;
	v8 =	vld [tilespmem:s14+$0x2E50]  }
0x10c: {  	s12 =	sadd.s32 $0x200, s12;
	v13 =	vmul.f32 v13, v9;
	v9 =	vld [tilespmem:s14+$0x2E60]  }
.Ltmp8:
0x10d: {  	_ = 	snop;
	(pc) =	sbr.rel .LBB2_12-.Ltmp8, $1  }
0x10e: {  	_ =	sdelay $0x3  }
.LBB2_14:
0x10f: {  	_ =	swait.ge [sflag:s15], $0x2800  }
0x110: {  	[sflag:s15] =	ssyncset.done $0x0  }
0x111: {  	[sflag:s15] =	ssyncadd.s32 $0xFFFFD800  }
0x112: {  	s12 =	sadd.s32 $0x0, s21;
	[bflag:$0x0] =	sbarrier.arrive $0xFFFF  }
0x113: {  	[tilespmem:s4], [sflag:$0x6] =	stream.linear.gather [hbm4b:s12+s4], $0x50, $0x38;
	[tilespmem:$0x1E600] =	vst v63  }
0x114: {  	_ =	swait.ge [sflag:s26], $0x50  }
0x115: {  	[sflag:s26] =	ssyncset.done $0x0  }
0x116: {  	[sflag:s26] =	ssyncadd.s32 $0xFFFFFFB0  }
0x117: {  	[tilespmem:s29], [sflag:$0x1] =	stream.indirect.gather [spmem:s2], $0x80, s4, s28, $0xb8;
	[tilespmem:$0x1E600] =	vst v63  }
0x118: {  	_ =	swait.ge [sflag:s0], $0x2800  }
0x119: {  	[sflag:s0] =	ssyncset.done $0x0  }
0x11a: {  	s3 =	rddreg [dreg:$0x11];
	[sflag:s0] =	ssyncadd.s32 $0xFFFFD800  }
0x11b: {  	[hbm4b:s3+s4] =	stream.linear.scatter [tilespmem:s29], [sflag:$0x6], $0x2800, $0x38;
	[tilespmem:$0x1E600] =	vst v63  }
0x11c: {  	s14 =	simm.s32 $0xA;
	_ =	swait.ge [sflag:s26], $0x2800  }
0x11d: {  	s25 =	simm.s32 $0x14;
	s12 =	sadd.s32 $0x500, s3;
	[sflag:s26] =	ssyncset.done $0x0  }
.LBB2_15:
0x11e: {  	s24 =	sadd.s32 s14, s21  }
0x11f: {  	[sflag:s26] =	ssyncadd.s32 $0xFFFFD800;
	s14 =	smov.u32 s25;
	s3 =	sadd.s32 $0xA, s25  }
0x120: {  	[tilespmem:s4], [sflag:$0x6] =	stream.linear.gather [hbm4b:s24+s4], $0x50, $0x38;
	[tilespmem:$0x1E600] =	vst v63  }
0x121: {  	p0 =	sne.s32 s25, $0x46;
	_ =	swait.ge [sflag:s26], $0x50  }
0x122: {  	[sflag:s26] =	ssyncset.done $0x0  }
0x123: {  	[sflag:s26] =	ssyncadd.s32 $0xFFFFFFB0  }
0x124: {  	[tilespmem:s29], [sflag:$0x1] =	stream.indirect.gather [spmem:s2], $0x80, s4, s28, $0xb8;
	[tilespmem:$0x1E600] =	vst v63  }
0x125: {  	_ =	swait.ge [sflag:s0], $0x2800  }
.Ltmp9:
0x126: {  	[sflag:s0] =	ssyncset.done $0x0;
	(pc) =	sbr.rel @p0 .LBB2_15-.Ltmp9, $4  }
0x127: {  	[sflag:s0] =	ssyncadd.s32 $0xFFFFD800  }
0x128: {  	[hbm4b:s12+s4] =	stream.linear.scatter [tilespmem:s29], [sflag:$0x6], $0x2800, $0x38;
	[tilespmem:$0x1E600] =	vst v63  }
0x129: {  	_ =	swait.ge [sflag:s26], $0x2800  }
0x12a: {  	s25 =	smov.u32 s3;
	s12 =	sadd.s32 $0x500, s12;
	[sflag:s26] =	ssyncset.done $0x0  }
0x12b: {  	s3 =	sadd.s32 s14, s21;
	[sflag:s26] =	ssyncadd.s32 $0xFFFFD800  }
0x12c: {  	[tilespmem:s4], [sflag:$0x6] =	stream.linear.gather [hbm4b:s3+s4], $0x50, $0x38;
	[tilespmem:$0x1E600] =	vst v63  }
0x12d: {  	_ =	swait.ge [sflag:s26], $0x50  }
0x12e: {  	[sflag:s26] =	ssyncset.done $0x0  }
0x12f: {  	[sflag:s26] =	ssyncadd.s32 $0xFFFFFFB0  }
0x130: {  	[tilespmem:s29], [sflag:$0x1] =	stream.indirect.gather [spmem:s2], $0x80, s4, s28, $0xb8;
	[tilespmem:$0x1E600] =	vst v63  }
0x131: {  	_ =	swait.ge [sflag:s0], $0x2800  }
0x132: {  	[sflag:s0] =	ssyncset.done $0x0  }
0x133: {  	[sflag:s0] =	ssyncadd.s32 $0xFFFFD800  }
0x134: {  	[hbm4b:s12+s4] =	stream.linear.scatter [tilespmem:s29], [sflag:$0x6], $0x2800, $0x38;
	[tilespmem:$0x1E600] =	vst v63  }
0x135: {  	_ =	swait.ge [sflag:s26], $0x2800  }
0x136: {  	[sflag:s26] =	ssyncset.done $0x0  }
0x137: {  	[sflag:s26] =	ssyncadd.s32 $0xFFFFD800  }
0x138: {  	s14 =	simm.s32 $0x200;
	s12 =	simm.s32 $0x0;
	[bflag:$0x0] =	sbarrier.arrive $0xFFFF  }
.LBB2_17:
0x139: {  	p0 =	sne.s32 s14, $0x9E00;
	[tilespmem:s12+$0x670] =	vst v0  }
0x13a: {  	[tilespmem:s12+$0x600] =	vst v0  }
0x13b: {  	[tilespmem:s12+$0x610] =	vst v0  }
.Ltmp10:
0x13c: {  	[tilespmem:s12+$0x620] =	vst v0;
	(pc) =	sbr.rel @p0 .LBB2_17-.Ltmp10, $4  }
0x13d: {  	[tilespmem:s12+$0x630] =	vst v0  }
0x13e: {  	[tilespmem:s12+$0x640] =	vst v0  }
0x13f: {  	[tilespmem:s12+$0x650] =	vst v0  }
0x140: {  	[tilespmem:s12+$0x660] =	vst v0;
	s12 =	sshra.s32 s14, $0x2;
	s14 =	sadd.s32 $0x200, s14  }
0x141: {  	[tilespmem:s12+$0x670] =	vst v0  }
0x142: {  	[tilespmem:s12+$0x600] =	vst v0  }
0x143: {  	[tilespmem:s12+$0x610] =	vst v0  }
0x144: {  	[tilespmem:s12+$0x620] =	vst v0  }
0x145: {  	[tilespmem:s12+$0x630] =	vst v0  }
0x146: {  	[tilespmem:s12+$0x640] =	vst v0  }
0x147: {  	[tilespmem:s12+$0x650] =	vst v0  }
0x148: {  	[tilespmem:s12+$0x660] =	vst v0;
	s3 =	simm.s32 $0x0;
	s24 =	rddreg [dreg:$0x9]  }
0x149: {  	[tilespmem:s3], [sflag:$0x6] =	stream.linear.gather [hbm4b:s24+s3], $0x50, $0x38;
	[tilespmem:$0x1E600] =	vst v63  }
0x14a: {  	_ =	swait.ge [sflag:s26], $0x50  }
0x14b: {  	[sflag:s26] =	ssyncset.done $0x0  }
0x14c: {  	[sflag:s26] =	ssyncadd.s32 $0xFFFFFFB0  }
0x14d: {  	[spmem:s2] =	stream.indirect.scatter [tilespmem:s29], [sflag:$0x6], $0x80, s3, s28, $0xb8;
	[tilespmem:$0x1E600] =	vst v63  }
0x14e: {  	_ =	swait.ge [sflag:s26], $0x2800  }
0x14f: {  	[sflag:s26] =	ssyncset.done $0x0  }
0x150: {  	s25 =	rddreg [dreg:$0xa];
	[sflag:s26] =	ssyncadd.s32 $0xFFFFD800  }
0x151: {  	[tilespmem:s3], [sflag:$0x6] =	stream.linear.gather [hbm4b:s25+s3], $0x50, $0x38;
	[tilespmem:$0x1E600] =	vst v63  }
0x152: {  	_ =	swait.ge [sflag:s26], $0x50  }
0x153: {  	[sflag:s26] =	ssyncset.done $0x0  }
0x154: {  	[sflag:s26] =	ssyncadd.s32 $0xFFFFFFB0  }
0x155: {  	[spmem:s2] =	stream.indirect.scatter [tilespmem:s29], [sflag:$0x6], $0x80, s3, s28, $0xb8;
	[tilespmem:$0x1E600] =	vst v63  }
0x156: {  	_ =	swait.ge [sflag:s26], $0x2800  }
0x157: {  	[sflag:s26] =	ssyncset.done $0x0  }
0x158: {  	s14 =	rddreg [dreg:$0xb];
	[sflag:s26] =	ssyncadd.s32 $0xFFFFD800  }
0x159: {  	[tilespmem:s3], [sflag:$0x6] =	stream.linear.gather [hbm4b:s14+s3], $0x50, $0x38;
	[tilespmem:$0x1E600] =	vst v63  }
0x15a: {  	_ =	swait.ge [sflag:s26], $0x50  }
0x15b: {  	[sflag:s26] =	ssyncset.done $0x0  }
0x15c: {  	[sflag:s26] =	ssyncadd.s32 $0xFFFFFFB0  }
0x15d: {  	[spmem:s2] =	stream.indirect.scatter [tilespmem:s29], [sflag:$0x6], $0x80, s3, s28, $0xb8;
	[tilespmem:$0x1E600] =	vst v63  }
0x15e: {  	_ =	swait.ge [sflag:s26], $0x2800  }
0x15f: {  	[sflag:s26] =	ssyncset.done $0x0  }
0x160: {  	s24 =	rddreg [dreg:$0xc];
	[sflag:s26] =	ssyncadd.s32 $0xFFFFD800  }
0x161: {  	[tilespmem:s3], [sflag:$0x6] =	stream.linear.gather [hbm4b:s24+s3], $0x50, $0x38;
	[tilespmem:$0x1E600] =	vst v63  }
0x162: {  	_ =	swait.ge [sflag:s26], $0x50  }
0x163: {  	[sflag:s26] =	ssyncset.done $0x0  }
0x164: {  	[sflag:s26] =	ssyncadd.s32 $0xFFFFFFB0  }
0x165: {  	[spmem:s2] =	stream.indirect.scatter [tilespmem:s29], [sflag:$0x6], $0x80, s3, s28, $0xb8;
	[tilespmem:$0x1E600] =	vst v63  }
0x166: {  	_ =	swait.ge [sflag:s26], $0x2800  }
0x167: {  	[sflag:s26] =	ssyncset.done $0x0  }
0x168: {  	s25 =	rddreg [dreg:$0xd];
	[sflag:s26] =	ssyncadd.s32 $0xFFFFD800  }
0x169: {  	[tilespmem:s3], [sflag:$0x6] =	stream.linear.gather [hbm4b:s25+s3], $0x50, $0x38;
	[tilespmem:$0x1E600] =	vst v63  }
0x16a: {  	_ =	swait.ge [sflag:s26], $0x50  }
0x16b: {  	[sflag:s26] =	ssyncset.done $0x0  }
0x16c: {  	[sflag:s26] =	ssyncadd.s32 $0xFFFFFFB0  }
0x16d: {  	[spmem:s2] =	stream.indirect.scatter [tilespmem:s29], [sflag:$0x6], $0x80, s3, s28, $0xb8;
	[tilespmem:$0x1E600] =	vst v63  }
0x16e: {  	_ =	swait.ge [sflag:s26], $0x2800  }
0x16f: {  	[sflag:s26] =	ssyncset.done $0x0  }
0x170: {  	s14 =	rddreg [dreg:$0xe];
	[sflag:s26] =	ssyncadd.s32 $0xFFFFD800  }
0x171: {  	[tilespmem:s3], [sflag:$0x6] =	stream.linear.gather [hbm4b:s14+s3], $0x50, $0x38;
	[tilespmem:$0x1E600] =	vst v63  }
0x172: {  	_ =	swait.ge [sflag:s26], $0x50  }
0x173: {  	[sflag:s26] =	ssyncset.done $0x0  }
0x174: {  	[sflag:s26] =	ssyncadd.s32 $0xFFFFFFB0  }
0x175: {  	[spmem:s2] =	stream.indirect.scatter [tilespmem:s29], [sflag:$0x6], $0x80, s3, s28, $0xb8;
	[tilespmem:$0x1E600] =	vst v63  }
0x176: {  	_ =	swait.ge [sflag:s26], $0x2800  }
0x177: {  	[sflag:s26] =	ssyncset.done $0x0  }
0x178: {  	s24 =	rddreg [dreg:$0xf];
	[sflag:s26] =	ssyncadd.s32 $0xFFFFD800  }
0x179: {  	[tilespmem:s3], [sflag:$0x6] =	stream.linear.gather [hbm4b:s24+s3], $0x50, $0x38;
	[tilespmem:$0x1E600] =	vst v63  }
0x17a: {  	_ =	swait.ge [sflag:s26], $0x50  }
0x17b: {  	[sflag:s26] =	ssyncset.done $0x0  }
0x17c: {  	[sflag:s26] =	ssyncadd.s32 $0xFFFFFFB0  }
0x17d: {  	[spmem:s2] =	stream.indirect.scatter [tilespmem:s29], [sflag:$0x6], $0x80, s3, s28, $0xb8;
	[tilespmem:$0x1E600] =	vst v63  }
0x17e: {  	_ =	swait.ge [sflag:s26], $0x2800  }
0x17f: {  	[sflag:s26] =	ssyncset.done $0x0  }
0x180: {  	s25 =	rddreg [dreg:$0x10];
	[sflag:s26] =	ssyncadd.s32 $0xFFFFD800  }
0x181: {  	[tilespmem:s3], [sflag:$0x6] =	stream.linear.gather [hbm4b:s25+s3], $0x50, $0x38;
	[tilespmem:$0x1E600] =	vst v63  }
0x182: {  	_ =	swait.ge [sflag:s26], $0x50  }
0x183: {  	[sflag:s26] =	ssyncset.done $0x0  }
0x184: {  	[sflag:s26] =	ssyncadd.s32 $0xFFFFFFB0  }
0x185: {  	[spmem:s2] =	stream.indirect.scatter [tilespmem:s29], [sflag:$0x6], $0x80, s3, s28, $0xb8;
	[tilespmem:$0x1E600] =	vst v63  }
0x186: {  	_ =	swait.ge [sflag:s26], $0x2800  }
0x187: {  	[sflag:s26] =	ssyncset.done $0x0  }
0x188: {  	[sflag:s26] =	ssyncadd.s32 $0xFFFFD800  }
0x189: {  	s12 =	simm.s32 $0x0;
	s14 =	simm.s32 $0x200;
	[bflag:$0x0] =	sbarrier.arrive $0xFFFF  }
.LBB2_19:
0x18a: {  	p0 =	sne.s32 s14, $0x9E00;
	[tilespmem:s12+$0x670] =	vst v1  }
0x18b: {  	[tilespmem:s12+$0x600] =	vst v1  }
0x18c: {  	[tilespmem:s12+$0x610] =	vst v1  }
.Ltmp11:
0x18d: {  	[tilespmem:s12+$0x620] =	vst v1;
	(pc) =	sbr.rel @p0 .LBB2_19-.Ltmp11, $4  }
0x18e: {  	[tilespmem:s12+$0x630] =	vst v1  }
0x18f: {  	[tilespmem:s12+$0x640] =	vst v1  }
0x190: {  	[tilespmem:s12+$0x650] =	vst v1  }
0x191: {  	[tilespmem:s12+$0x660] =	vst v1;
	s12 =	sshra.s32 s14, $0x2;
	s14 =	sadd.s32 $0x200, s14  }
0x192: {  	[tilespmem:s12+$0x670] =	vst v1  }
0x193: {  	[tilespmem:s12+$0x600] =	vst v1  }
0x194: {  	[tilespmem:s12+$0x610] =	vst v1  }
0x195: {  	[tilespmem:s12+$0x620] =	vst v1  }
0x196: {  	[tilespmem:s12+$0x630] =	vst v1  }
0x197: {  	[tilespmem:s12+$0x640] =	vst v1  }
0x198: {  	[tilespmem:s12+$0x650] =	vst v1  }
0x199: {  	[tilespmem:s12+$0x660] =	vst v1;
	s3 =	sadd.s32 $0x0, s23  }
0x19a: {  	[tilespmem:s16], [sflag:$0x6] =	stream.linear.gather [hbm4b:s3+s4], $0x280, $0x38;
	[tilespmem:$0x1E600] =	vst v63  }
0x19b: {  	_ =	swait.ge [sflag:s26], $0x280  }
0x19c: {  	[sflag:s26] =	ssyncset.done $0x0  }
0x19d: {  	[sflag:s26] =	ssyncadd.s32 $0xFFFFFD80  }
0x19e: {  	[spmem:s2] =	stream.indirect.scatter.add.f32 [tilespmem:s29], [sflag:$0x2], $0x80, s16, s28, $0xb8;
	[tilespmem:$0x1E600] =	vst v63  }
0x19f: {  	_ = 	snop  }
0x1a0: {  	[spmem:s2] =	stream.indirect.scatter.add.f32 [tilespmem:s29], [sflag:$0x2], $0x80, s17, s28, $0xb8;
	[tilespmem:$0x1E600] =	vst v63  }
0x1a1: {  	_ = 	snop  }
0x1a2: {  	[spmem:s2] =	stream.indirect.scatter.add.f32 [tilespmem:s29], [sflag:$0x2], $0x80, s18, s28, $0xb8;
	[tilespmem:$0x1E600] =	vst v63  }
0x1a3: {  	_ = 	snop  }
0x1a4: {  	[spmem:s2] =	stream.indirect.scatter.add.f32 [tilespmem:s29], [sflag:$0x2], $0x80, s19, s28, $0xb8;
	[tilespmem:$0x1E600] =	vst v63  }
0x1a5: {  	_ = 	snop  }
0x1a6: {  	[spmem:s2] =	stream.indirect.scatter.add.f32 [tilespmem:s29], [sflag:$0x2], $0x80, s20, s28, $0xb8;
	[tilespmem:$0x1E600] =	vst v63  }
0x1a7: {  	_ =	swait.ge [sflag:s13], $0x2800  }
0x1a8: {  	[sflag:s13] =	ssyncset.done $0x0  }
0x1a9: {  	[sflag:s13] =	ssyncadd.s32 $0xFFFFD800  }
0x1aa: {  	_ =	swait.ge [sflag:s13], $0x2800  }
0x1ab: {  	[sflag:s13] =	ssyncset.done $0x0  }
0x1ac: {  	[sflag:s13] =	ssyncadd.s32 $0xFFFFD800  }
0x1ad: {  	_ =	swait.ge [sflag:s13], $0x2800  }
0x1ae: {  	[sflag:s13] =	ssyncset.done $0x0  }
0x1af: {  	[sflag:s13] =	ssyncadd.s32 $0xFFFFD800  }
0x1b0: {  	_ =	swait.ge [sflag:s13], $0x2800  }
0x1b1: {  	[sflag:s13] =	ssyncset.done $0x0  }
0x1b2: {  	[sflag:s13] =	ssyncadd.s32 $0xFFFFD800  }
0x1b3: {  	_ =	swait.ge [sflag:s13], $0x2800  }
0x1b4: {  	s14 =	simm.s32 $0x80;
	s12 =	simm.s32 $0x100;
	[sflag:s13] =	ssyncset.done $0x0  }
.LBB2_21:
0x1b5: {  	s3 =	sadd.s32 s14, s23  }
0x1b6: {  	[sflag:s13] =	ssyncadd.s32 $0xFFFFD800;
	s14 =	smov.u32 s12;
	s24 =	sadd.s32 $0x80, s12  }
0x1b7: {  	[tilespmem:s16], [sflag:$0x6] =	stream.linear.gather [hbm4b:s3+s4], $0x280, $0x38;
	[tilespmem:$0x1E600] =	vst v63  }
0x1b8: {  	p0 =	sne.s32 s12, $0xC00;
	_ =	swait.ge [sflag:s26], $0x280  }
0x1b9: {  	[sflag:s26] =	ssyncset.done $0x0  }
0x1ba: {  	[sflag:s26] =	ssyncadd.s32 $0xFFFFFD80  }
0x1bb: {  	[spmem:s2] =	stream.indirect.scatter.add.f32 [tilespmem:s29], [sflag:$0x2], $0x80, s16, s28, $0xb8;
	[tilespmem:$0x1E600] =	vst v63  }
0x1bc: {  	_ = 	snop  }
0x1bd: {  	[spmem:s2] =	stream.indirect.scatter.add.f32 [tilespmem:s29], [sflag:$0x2], $0x80, s17, s28, $0xb8;
	[tilespmem:$0x1E600] =	vst v63  }
0x1be: {  	_ = 	snop  }
0x1bf: {  	[spmem:s2] =	stream.indirect.scatter.add.f32 [tilespmem:s29], [sflag:$0x2], $0x80, s18, s28, $0xb8;
	[tilespmem:$0x1E600] =	vst v63  }
0x1c0: {  	_ = 	snop  }
0x1c1: {  	[spmem:s2] =	stream.indirect.scatter.add.f32 [tilespmem:s29], [sflag:$0x2], $0x80, s19, s28, $0xb8;
	[tilespmem:$0x1E600] =	vst v63  }
0x1c2: {  	_ = 	snop  }
0x1c3: {  	[spmem:s2] =	stream.indirect.scatter.add.f32 [tilespmem:s29], [sflag:$0x2], $0x80, s20, s28, $0xb8;
	[tilespmem:$0x1E600] =	vst v63  }
0x1c4: {  	_ =	swait.ge [sflag:s13], $0x2800  }
0x1c5: {  	[sflag:s13] =	ssyncset.done $0x0  }
0x1c6: {  	[sflag:s13] =	ssyncadd.s32 $0xFFFFD800  }
0x1c7: {  	_ =	swait.ge [sflag:s13], $0x2800  }
0x1c8: {  	[sflag:s13] =	ssyncset.done $0x0  }
0x1c9: {  	[sflag:s13] =	ssyncadd.s32 $0xFFFFD800  }
0x1ca: {  	_ =	swait.ge [sflag:s13], $0x2800  }
0x1cb: {  	[sflag:s13] =	ssyncset.done $0x0  }
0x1cc: {  	[sflag:s13] =	ssyncadd.s32 $0xFFFFD800  }
.Ltmp12:
0x1cd: {  	_ =	swait.ge [sflag:s13], $0x2800;
	(pc) =	sbr.rel @p0 .LBB2_21-.Ltmp12, $4  }
0x1ce: {  	[sflag:s13] =	ssyncset.done $0x0  }
0x1cf: {  	[sflag:s13] =	ssyncadd.s32 $0xFFFFD800  }
0x1d0: {  	_ =	swait.ge [sflag:s13], $0x2800  }
0x1d1: {  	s12 =	smov.u32 s24;
	[sflag:s13] =	ssyncset.done $0x0  }
0x1d2: {  	s3 =	sadd.s32 s14, s23;
	[sflag:s13] =	ssyncadd.s32 $0xFFFFD800  }
0x1d3: {  	[tilespmem:s16], [sflag:$0x6] =	stream.linear.gather [hbm4b:s3+s4], $0x280, $0x38;
	[tilespmem:$0x1E600] =	vst v63  }
0x1d4: {  	_ =	swait.ge [sflag:s26], $0x280  }
0x1d5: {  	[sflag:s26] =	ssyncset.done $0x0  }
0x1d6: {  	[sflag:s26] =	ssyncadd.s32 $0xFFFFFD80  }
0x1d7: {  	[spmem:s2] =	stream.indirect.scatter.add.f32 [tilespmem:s29], [sflag:$0x2], $0x80, s16, s28, $0xb8;
	[tilespmem:$0x1E600] =	vst v63  }
0x1d8: {  	_ = 	snop  }
0x1d9: {  	[spmem:s2] =	stream.indirect.scatter.add.f32 [tilespmem:s29], [sflag:$0x2], $0x80, s17, s28, $0xb8;
	[tilespmem:$0x1E600] =	vst v63  }
0x1da: {  	_ = 	snop  }
0x1db: {  	[spmem:s2] =	stream.indirect.scatter.add.f32 [tilespmem:s29], [sflag:$0x2], $0x80, s18, s28, $0xb8;
	[tilespmem:$0x1E600] =	vst v63  }
0x1dc: {  	_ = 	snop  }
0x1dd: {  	[spmem:s2] =	stream.indirect.scatter.add.f32 [tilespmem:s29], [sflag:$0x2], $0x80, s19, s28, $0xb8;
	[tilespmem:$0x1E600] =	vst v63  }
0x1de: {  	_ = 	snop  }
0x1df: {  	[spmem:s2] =	stream.indirect.scatter.add.f32 [tilespmem:s29], [sflag:$0x2], $0x80, s20, s28, $0xb8;
	[tilespmem:$0x1E600] =	vst v63  }
0x1e0: {  	_ =	swait.ge [sflag:s13], $0x2800  }
0x1e1: {  	[sflag:s13] =	ssyncset.done $0x0  }
0x1e2: {  	[sflag:s13] =	ssyncadd.s32 $0xFFFFD800  }
0x1e3: {  	_ =	swait.ge [sflag:s13], $0x2800  }
0x1e4: {  	[sflag:s13] =	ssyncset.done $0x0  }
0x1e5: {  	[sflag:s13] =	ssyncadd.s32 $0xFFFFD800  }
0x1e6: {  	_ =	swait.ge [sflag:s13], $0x2800  }
0x1e7: {  	[sflag:s13] =	ssyncset.done $0x0  }
0x1e8: {  	[sflag:s13] =	ssyncadd.s32 $0xFFFFD800  }
0x1e9: {  	_ =	swait.ge [sflag:s13], $0x2800  }
0x1ea: {  	[sflag:s13] =	ssyncset.done $0x0  }
0x1eb: {  	[sflag:s13] =	ssyncadd.s32 $0xFFFFD800  }
0x1ec: {  	_ =	swait.ge [sflag:s13], $0x2800  }
0x1ed: {  	[sflag:s13] =	ssyncset.done $0x0  }
0x1ee: {  	[sflag:s13] =	ssyncadd.s32 $0xFFFFD800  }
0x1ef: {  	s14 =	sadd.s32 $0x0, s21;
	[bflag:$0x0] =	sbarrier.arrive $0xFFFF  }
0x1f0: {  	[tilespmem:s4], [sflag:$0x6] =	stream.linear.gather [hbm4b:s14+s4], $0x50, $0x38;
	[tilespmem:$0x1E600] =	vst v63  }
0x1f1: {  	_ =	swait.ge [sflag:s26], $0x50  }
0x1f2: {  	[sflag:s26] =	ssyncset.done $0x0  }
0x1f3: {  	[sflag:s26] =	ssyncadd.s32 $0xFFFFFFB0  }
0x1f4: {  	[tilespmem:s29], [sflag:$0x1] =	stream.indirect.gather [spmem:s2], $0x80, s4, s28, $0xb8;
	[tilespmem:$0x1E600] =	vst v63  }
0x1f5: {  	_ =	swait.ge [sflag:s0], $0x2800  }
0x1f6: {  	[sflag:s0] =	ssyncset.done $0x0  }
0x1f7: {  	s24 =	rddreg [dreg:$0x12];
	[sflag:s0] =	ssyncadd.s32 $0xFFFFD800  }
0x1f8: {  	[hbm4b:s24+s4] =	stream.linear.scatter [tilespmem:s29], [sflag:$0x6], $0x2800, $0x38;
	[tilespmem:$0x1E600] =	vst v63  }
0x1f9: {  	s25 =	simm.s32 $0x14;
	_ =	swait.ge [sflag:s26], $0x2800  }
0x1fa: {  	s14 =	simm.s32 $0xA;
	s12 =	sadd.s32 $0x500, s24;
	[sflag:s26] =	ssyncset.done $0x0  }
.LBB2_23:
0x1fb: {  	s3 =	sadd.s32 s14, s21  }
0x1fc: {  	[sflag:s26] =	ssyncadd.s32 $0xFFFFD800;
	s14 =	smov.u32 s25;
	s24 =	sadd.s32 $0xA, s25  }
0x1fd: {  	[tilespmem:s4], [sflag:$0x6] =	stream.linear.gather [hbm4b:s3+s4], $0x50, $0x38;
	[tilespmem:$0x1E600] =	vst v63  }
0x1fe: {  	p0 =	sne.s32 s25, $0x46;
	_ =	swait.ge [sflag:s26], $0x50  }
0x1ff: {  	[sflag:s26] =	ssyncset.done $0x0  }
0x200: {  	[sflag:s26] =	ssyncadd.s32 $0xFFFFFFB0  }
0x201: {  	[tilespmem:s29], [sflag:$0x1] =	stream.indirect.gather [spmem:s2], $0x80, s4, s28, $0xb8;
	[tilespmem:$0x1E600] =	vst v63  }
0x202: {  	_ =	swait.ge [sflag:s0], $0x2800  }
.Ltmp13:
0x203: {  	[sflag:s0] =	ssyncset.done $0x0;
	(pc) =	sbr.rel @p0 .LBB2_23-.Ltmp13, $4  }
0x204: {  	[sflag:s0] =	ssyncadd.s32 $0xFFFFD800  }
0x205: {  	[hbm4b:s12+s4] =	stream.linear.scatter [tilespmem:s29], [sflag:$0x6], $0x2800, $0x38;
	[tilespmem:$0x1E600] =	vst v63  }
0x206: {  	_ =	swait.ge [sflag:s26], $0x2800  }
0x207: {  	s25 =	smov.u32 s24;
	s12 =	sadd.s32 $0x500, s12;
	[sflag:s26] =	ssyncset.done $0x0  }
0x208: {  	s3 =	sadd.s32 s14, s21;
	[sflag:s26] =	ssyncadd.s32 $0xFFFFD800  }
0x209: {  	[tilespmem:s4], [sflag:$0x6] =	stream.linear.gather [hbm4b:s3+s4], $0x50, $0x38;
	[tilespmem:$0x1E600] =	vst v63  }
0x20a: {  	_ =	swait.ge [sflag:s26], $0x50  }
0x20b: {  	[sflag:s26] =	ssyncset.done $0x0  }
0x20c: {  	[sflag:s26] =	ssyncadd.s32 $0xFFFFFFB0  }
0x20d: {  	[tilespmem:s29], [sflag:$0x1] =	stream.indirect.gather [spmem:s2], $0x80, s4, s28, $0xb8;
	[tilespmem:$0x1E600] =	vst v63  }
0x20e: {  	_ =	swait.ge [sflag:s0], $0x2800  }
0x20f: {  	[sflag:s0] =	ssyncset.done $0x0  }
0x210: {  	[sflag:s0] =	ssyncadd.s32 $0xFFFFD800  }
0x211: {  	[hbm4b:s12+s4] =	stream.linear.scatter [tilespmem:s29], [sflag:$0x6], $0x2800, $0x38;
	[tilespmem:$0x1E600] =	vst v63  }
0x212: {  	_ =	swait.ge [sflag:s26], $0x2800  }
0x213: {  	s24 =	rddreg [dreg:$0x13]  }
0x214: {  	s25 =	rddreg [dreg:$0x8];
	s12 =	sadd.s32 $0x1, s24  }
0x215: {  	p0 =	sne.s32 s12, s25  }
.Ltmp14:
0x216: {  	_ = 	snop;
	(pc) =	sbr.rel @p0 .LBB2_1-.Ltmp14, $3  }
0x217: {  	_ =	sdelay $0x1  }
0x218: {  	[sflag:s26] =	ssyncset.done $0x0  }
0x219: {  	[sflag:s26] =	ssyncadd.s32 $0xFFFFD800  }
0x21a: {  	_ =	sfence.sel $0x180000  }
0x21b: {  	[bflag:$0x0] =	sbarrier.arrive $0xFFFF  }
0x21c: {  	_ =	strace $0x90000047  }
0x21d: {  	s0 =	stileid.u32;
	[bflag:$0x2] =	sbarrier.arrive $0xFFFF  }
0x21e: {  	p0 =	sne.s32 s0, $0x0;
	s0 =	rddreg [dreg:$0x4]  }
0x21f: {  	s0 =	sadd.s32 @!p0 $0x100000, s0  }
0x220: {  	[sflag:s0] =	ssyncadd.tile.s32 @!p0 $0x1;
	_ =	shalt  }
.Lfunc_end2:
_tile_overlayer_lowered:
.L_overlay_start_2:
0x221: {  	(tag) =	ssettag $0x2  }
0x222: {  	s0 =	rddreg [dreg:$0x0];
	s2 =	stileid.u32  }
0x223: {  	s1 =	rddreg [dreg:$0x1];
	p0 =	sne.s32 s2, $0x0  }
0x224: {  	s3 =	rddreg [dreg:$0x2];
	[bflag:$0x3] =	sbarrier.arrive $0xFFFF;
	s2 =	simm.s32 @!p0 $0x1C06  }
0x225: {  	[timem:s3], [sflag:s2] =	dma.local @!p0 [hbm:s0], s1  }
0x226: {  	s0 =	simm.s32 @!p0 $0x6  }
0x227: {  	_ =	swait.ge @!p0 [sflag:s0], s1  }
0x228: {  	s1 =	ssub.s32 @!p0 $0x0, s1;
	[sflag:s0] =	ssyncset.done @!p0 $0x0  }
0x229: {  	[sflag:s0] =	ssyncadd.s32 @!p0 s1  }
0x22a: {  	[bflag:$0x3] =	sbarrier.arrive $0xFFFF  }
0x22b: {  	_ =	shalt  }

</sc_bundles>
